<compile_context>
chip_gen: v7x
topology: tpu7x:2x2x1
jax: 0.10.2.dev20260603
libtpu: 0.0.44.dev20260713+nightly
codegen_flags: <defaults>
</compile_context>

<pallas_src>
import jax
import jax.numpy as jnp
from jax.experimental import pallas as pl
from jax.experimental.pallas import tpu as pltpu

M = 32
K = 256
D = 24
EMB = M * D


def _pq_kernel(x_ref, cb_ref, cbt_ref, quantT_ref, codesT_ref):
    x = x_ref[:]
    bt = x.shape[0]
    codes_rows = []
    quant_rows = []
    for m in range(M):
        cb_m = cb_ref[m]
        cbt_m = cbt_ref[m]
        x_m = x[:, m * D:(m + 1) * D]
        scoresT = jax.lax.dot_general(cb_m, x_m, (((1,), (1,)), ((), ())))
        codes_m = jnp.argmax(scoresT, axis=0).astype(jnp.int32)
        idx = jnp.broadcast_to(codes_m[None, :], (D, bt))
        q0 = jnp.take_along_axis(cbt_m[:, :128], jnp.minimum(idx, 127), axis=1)
        q1 = jnp.take_along_axis(cbt_m[:, 128:], jnp.maximum(idx - 128, 0),
                                 axis=1)
        quant_rows.append(jnp.where(idx < 128, q0, q1))
        codes_rows.append(codes_m[None, :])
    quantT_ref[:] = jnp.concatenate(quant_rows, axis=0)
    codesT_ref[:] = jnp.concatenate(codes_rows, axis=0)


def kernel(x, codebook):
    B = x.shape[0]
    BT = 256
    grid = (B // BT,)
    cbt = codebook.transpose(0, 2, 1)
    quantT, codesT = pl.pallas_call(
        _pq_kernel,
        grid=grid,
        in_specs=[pl.BlockSpec((BT, EMB), lambda i: (i, 0)),
                  pl.BlockSpec((M, K, D), lambda i: (0, 0, 0)),
                  pl.BlockSpec((M, D, K), lambda i: (0, 0, 0))],
        out_specs=[pl.BlockSpec((EMB, BT), lambda i: (0, i)),
                   pl.BlockSpec((M, BT), lambda i: (0, i))],
        out_shape=(jax.ShapeDtypeStruct((EMB, B), jnp.float32),
                   jax.ShapeDtypeStruct((M, B), jnp.int32)),
        compiler_params=pltpu.CompilerParams(
            dimension_semantics=("parallel",)),
    )(x, codebook, cbt)
    return quantT.T, codesT.T

# --- scband reference (transcript-rebuilt; emitter-appended) ---
"""Pipeline reference for scband-product-quantization-25477746000028 (READ-ONLY COPY).

The authoritative reference and input builder live on the scoring server;
editing this copy changes nothing except your own understanding.
"""

import jax, jax.numpy as jnp
import numpy as np

SUBVECTOR_NUM = 32
SUBVECTOR_BITS = 8
SUBVECTOR_CENTS = 2 ** SUBVECTOR_BITS
EMB_SIZE = 768
LAST_DIM = EMB_SIZE // SUBVECTOR_NUM
BATCH = 16384


def setup_inputs(seed: int = 0) -> dict:
    key = jax.random.key(seed)
    k1, k2 = jax.random.split(key)
    x = jax.random.normal(k1, (BATCH, EMB_SIZE), dtype=jnp.float32)
    # learned parameter: PQ codebook [M, K, dsub] (pq_type='pq', dist_mode='ip', grad-updated)
    codebook = jax.random.normal(k2, (SUBVECTOR_NUM, SUBVECTOR_CENTS, LAST_DIM), dtype=jnp.float32) * 0.02
    return {"x": x, "codebook": codebook}


def reference(x, codebook):
    # ProductQuantization.forward, pq_type='pq', dist_mode='ip', tie_nci_pq_centroid=0:
    # split embedding into M subvectors, score each against its codebook slice with
    # inner product (compute_scores with dist_mode='ip' => sum(a*b, -1)), pick argmax
    # centroid per subvector, gather centroids and reassemble the quantized embedding.
    B = x.shape[0]
    M, K, d = codebook.shape
    xr = x.reshape(B, M, d)
    # scores[b, m, k] = <xr[b, m], codebook[m, k]>
    scores = jnp.einsum('bmd,mkd->bmk', xr, codebook)
    codes = jnp.argmax(scores, axis=-1)  # [B, M] int codes
    # gather: quant[b, m, :] = codebook[m, codes[b, m], :]
    quant = codebook[jnp.arange(M)[None, :], codes]  # [B, M, d]
    quantized_emb = quant.reshape(B, M * d)  # [B, emb_size]
    return quantized_emb, codes

if __name__ == "__main__":
    import jax
    _d = setup_inputs()
    print(jax.jit(kernel)(*tuple(_d.values())))

</pallas_src>

<mosaic_0001>
module attributes {stable_mosaic.version = 14 : i64} {
  func.func @_pq_kernel(%arg0: i32, %arg1: memref<256x768xf32, #tpu.memory_space<vmem>>, %arg2: memref<32x256x24xf32, #tpu.memory_space<vmem>>, %arg3: memref<32x24x256xf32, #tpu.memory_space<vmem>>, %arg4: memref<768x256xf32, #tpu.memory_space<vmem>>, %arg5: memref<32x256xi32, #tpu.memory_space<vmem>>) attributes {dimension_semantics = [#tpu.dimension_semantics<parallel>], iteration_bounds = array<i64: 64>, scalar_prefetch = 0 : i64, scratch_operands = 0 : i64, tpu.core_type = #tpu.core_type<tc>, window_params = [{transform_indices = @transform_0, window_bounds = array<i64: 256, 768>}, {pipeline_mode = #tpu.pipeline_mode<synchronous>, transform_indices = @transform_1, window_bounds = array<i64: 32, 256, 24>}, {pipeline_mode = #tpu.pipeline_mode<synchronous>, transform_indices = @transform_2, window_bounds = array<i64: 32, 24, 256>}, {transform_indices = @transform_3, window_bounds = array<i64: 768, 256>}, {transform_indices = @transform_4, window_bounds = array<i64: 32, 256>}]} {
    %get3A = arith.constant 0 : index
    %get3A_0 = arith.constant 0 : index
    %get3A_1 = vector.load %arg1[%get3A, %get3A_0] : memref<256x768xf32, #tpu.memory_space<vmem>>, vector<256x768xf32>
    %get3A_2 = arith.constant 0 : index
    %get3A_3 = arith.constant 0 : index
    %get3A_4 = arith.constant 0 : index
    %get3A_5 = vector.load %arg2[%get3A_2, %get3A_3, %get3A_4] : memref<32x256x24xf32, #tpu.memory_space<vmem>>, vector<1x256x24xf32>
    %get3A_6 = vector.shape_cast %get3A_5 : vector<1x256x24xf32> to vector<256x24xf32>
    %get3A_7 = arith.constant 0 : index
    %get3A_8 = arith.constant 0 : index
    %get3A_9 = arith.constant 0 : index
    %get3A_10 = vector.load %arg3[%get3A_7, %get3A_8, %get3A_9] : memref<32x24x256xf32, #tpu.memory_space<vmem>>, vector<1x24x256xf32>
    %get3A_11 = vector.shape_cast %get3A_10 : vector<1x24x256xf32> to vector<24x256xf32>
    %slice3A = vector.extract_strided_slice %get3A_1 {offsets = [0, 0], sizes = [256, 24], strides = [1, 1]} : vector<256x768xf32> to vector<256x24xf32>
    %dot_general3A = arith.constant dense<0.000000e+00> : vector<256x256xf32>
    %dot_general3A_12 = tpu.matmul %get3A_6, %slice3A, %dot_general3A {dimension_numbers = #tpu.dot_dimension_numbers<[1], [1], [0], [0], [0, 0, 1, 0], [], []>, transpose_lhs_hint = false} : vector<256x24xf32>, vector<256x24xf32>, vector<256x256xf32> -> vector<256x256xf32>
    %argmax3A = tpu.reduce_index %dot_general3A_12 {axis = 0 : i32, kind = #tpu.reduction_kind<arg_max>} : vector<256x256xf32> -> vector<256xi32>
    %broadcast_in_dim3A = vector.shape_cast %argmax3A : vector<256xi32> to vector<1x256xi32>
    %broadcast_in_dim3A_13 = vector.shape_cast %broadcast_in_dim3A : vector<1x256xi32> to vector<1x256xi32>
    %broadcast_in_dim3A_14 = vector.broadcast %broadcast_in_dim3A_13 : vector<1x256xi32> to vector<24x256xi32>
    %slice3A_15 = vector.extract_strided_slice %get3A_11 {offsets = [0, 0], sizes = [24, 128], strides = [1, 1]} : vector<24x256xf32> to vector<24x128xf32>
    %min3A = arith.constant 127 : i32
    %min3A_16 = vector.broadcast %min3A : i32 to vector<24x256xi32>
    %min3A_17 = arith.minsi %broadcast_in_dim3A_14, %min3A_16 : vector<24x256xi32>
    %lt3A = arith.constant 0 : i32
    %lt3A_18 = vector.broadcast %lt3A : i32 to vector<24x256xi32>
    %lt3A_19 = arith.cmpi slt, %min3A_17, %lt3A_18 : vector<24x256xi32>
    %add3A = arith.constant 128 : i32
    %add3A_20 = vector.broadcast %add3A : i32 to vector<24x256xi32>
    %add3A_21 = arith.addi %min3A_17, %add3A_20 : vector<24x256xi32>
    %select_n3A = arith.select %lt3A_19, %add3A_21, %min3A_17 : vector<24x256xi1>, vector<24x256xi32>
    %reshape3A = vector.shape_cast %select_n3A : vector<24x256xi32> to vector<24x256x1xi32>
    %gather3A = vector.shape_cast %reshape3A : vector<24x256x1xi32> to vector<24x256xi32>
    %gather3A_22 = tpu.dynamic_gather %slice3A_15[%gather3A] in [1] : vector<24x128xf32>, vector<24x256xi32> -> vector<24x256xf32>
    %slice3A_23 = vector.extract_strided_slice %get3A_11 {offsets = [0, 128], sizes = [24, 128], strides = [1, 1]} : vector<24x256xf32> to vector<24x128xf32>
    %sub3A = arith.constant 128 : i32
    %sub3A_24 = vector.broadcast %sub3A : i32 to vector<24x256xi32>
    %sub3A_25 = arith.subi %broadcast_in_dim3A_14, %sub3A_24 : vector<24x256xi32>
    %max3A = arith.constant 0 : i32
    %max3A_26 = vector.broadcast %max3A : i32 to vector<24x256xi32>
    %max3A_27 = arith.maxsi %sub3A_25, %max3A_26 : vector<24x256xi32>
    %lt3A_28 = arith.constant 0 : i32
    %lt3A_29 = vector.broadcast %lt3A_28 : i32 to vector<24x256xi32>
    %lt3A_30 = arith.cmpi slt, %max3A_27, %lt3A_29 : vector<24x256xi32>
    %add3A_31 = arith.constant 128 : i32
    %add3A_32 = vector.broadcast %add3A_31 : i32 to vector<24x256xi32>
    %add3A_33 = arith.addi %max3A_27, %add3A_32 : vector<24x256xi32>
    %select_n3A_34 = arith.select %lt3A_30, %add3A_33, %max3A_27 : vector<24x256xi1>, vector<24x256xi32>
    %reshape3A_35 = vector.shape_cast %select_n3A_34 : vector<24x256xi32> to vector<24x256x1xi32>
    %gather3A_36 = vector.shape_cast %reshape3A_35 : vector<24x256x1xi32> to vector<24x256xi32>
    %gather3A_37 = tpu.dynamic_gather %slice3A_23[%gather3A_36] in [1] : vector<24x128xf32>, vector<24x256xi32> -> vector<24x256xf32>
    %lt3A_38 = arith.constant 128 : i32
    %lt3A_39 = vector.broadcast %lt3A_38 : i32 to vector<24x256xi32>
    %lt3A_40 = arith.cmpi slt, %broadcast_in_dim3A_14, %lt3A_39 : vector<24x256xi32>
    %select_n3A_41 = arith.select %lt3A_40, %gather3A_22, %gather3A_37 : vector<24x256xi1>, vector<24x256xf32>
    %broadcast_in_dim3A_42 = vector.shape_cast %argmax3A : vector<256xi32> to vector<1x256xi32>
    %get3A_43 = arith.constant 1 : index
    %get3A_44 = arith.constant 0 : index
    %get3A_45 = arith.constant 0 : index
    %get3A_46 = vector.load %arg2[%get3A_43, %get3A_44, %get3A_45] : memref<32x256x24xf32, #tpu.memory_space<vmem>>, vector<1x256x24xf32>
    %get3A_47 = vector.shape_cast %get3A_46 : vector<1x256x24xf32> to vector<256x24xf32>
    %get3A_48 = arith.constant 1 : index
    %get3A_49 = arith.constant 0 : index
    %get3A_50 = arith.constant 0 : index
    %get3A_51 = vector.load %arg3[%get3A_48, %get3A_49, %get3A_50] : memref<32x24x256xf32, #tpu.memory_space<vmem>>, vector<1x24x256xf32>
    %get3A_52 = vector.shape_cast %get3A_51 : vector<1x24x256xf32> to vector<24x256xf32>
    %slice3A_53 = vector.extract_strided_slice %get3A_1 {offsets = [0, 24], sizes = [256, 24], strides = [1, 1]} : vector<256x768xf32> to vector<256x24xf32>
    %dot_general3A_54 = arith.constant dense<0.000000e+00> : vector<256x256xf32>
    %dot_general3A_55 = tpu.matmul %get3A_47, %slice3A_53, %dot_general3A_54 {dimension_numbers = #tpu.dot_dimension_numbers<[1], [1], [0], [0], [0, 0, 1, 0], [], []>, transpose_lhs_hint = false} : vector<256x24xf32>, vector<256x24xf32>, vector<256x256xf32> -> vector<256x256xf32>
    %argmax3A_56 = tpu.reduce_index %dot_general3A_55 {axis = 0 : i32, kind = #tpu.reduction_kind<arg_max>} : vector<256x256xf32> -> vector<256xi32>
    %broadcast_in_dim3A_57 = vector.shape_cast %argmax3A_56 : vector<256xi32> to vector<1x256xi32>
    %broadcast_in_dim3A_58 = vector.shape_cast %broadcast_in_dim3A_57 : vector<1x256xi32> to vector<1x256xi32>
    %broadcast_in_dim3A_59 = vector.broadcast %broadcast_in_dim3A_58 : vector<1x256xi32> to vector<24x256xi32>
    %slice3A_60 = vector.extract_strided_slice %get3A_52 {offsets = [0, 0], sizes = [24, 128], strides = [1, 1]} : vector<24x256xf32> to vector<24x128xf32>
    %min3A_61 = arith.constant 127 : i32
    %min3A_62 = vector.broadcast %min3A_61 : i32 to vector<24x256xi32>
    %min3A_63 = arith.minsi %broadcast_in_dim3A_59, %min3A_62 : vector<24x256xi32>
    %lt3A_64 = arith.constant 0 : i32
    %lt3A_65 = vector.broadcast %lt3A_64 : i32 to vector<24x256xi32>
    %lt3A_66 = arith.cmpi slt, %min3A_63, %lt3A_65 : vector<24x256xi32>
    %add3A_67 = arith.constant 128 : i32
    %add3A_68 = vector.broadcast %add3A_67 : i32 to vector<24x256xi32>
    %add3A_69 = arith.addi %min3A_63, %add3A_68 : vector<24x256xi32>
    %select_n3A_70 = arith.select %lt3A_66, %add3A_69, %min3A_63 : vector<24x256xi1>, vector<24x256xi32>
    %reshape3A_71 = vector.shape_cast %select_n3A_70 : vector<24x256xi32> to vector<24x256x1xi32>
    %gather3A_72 = vector.shape_cast %reshape3A_71 : vector<24x256x1xi32> to vector<24x256xi32>
    %gather3A_73 = tpu.dynamic_gather %slice3A_60[%gather3A_72] in [1] : vector<24x128xf32>, vector<24x256xi32> -> vector<24x256xf32>
    %slice3A_74 = vector.extract_strided_slice %get3A_52 {offsets = [0, 128], sizes = [24, 128], strides = [1, 1]} : vector<24x256xf32> to vector<24x128xf32>
    %sub3A_75 = arith.constant 128 : i32
    %sub3A_76 = vector.broadcast %sub3A_75 : i32 to vector<24x256xi32>
    %sub3A_77 = arith.subi %broadcast_in_dim3A_59, %sub3A_76 : vector<24x256xi32>
    %max3A_78 = arith.constant 0 : i32
    %max3A_79 = vector.broadcast %max3A_78 : i32 to vector<24x256xi32>
    %max3A_80 = arith.maxsi %sub3A_77, %max3A_79 : vector<24x256xi32>
    %lt3A_81 = arith.constant 0 : i32
    %lt3A_82 = vector.broadcast %lt3A_81 : i32 to vector<24x256xi32>
    %lt3A_83 = arith.cmpi slt, %max3A_80, %lt3A_82 : vector<24x256xi32>
    %add3A_84 = arith.constant 128 : i32
    %add3A_85 = vector.broadcast %add3A_84 : i32 to vector<24x256xi32>
    %add3A_86 = arith.addi %max3A_80, %add3A_85 : vector<24x256xi32>
    %select_n3A_87 = arith.select %lt3A_83, %add3A_86, %max3A_80 : vector<24x256xi1>, vector<24x256xi32>
    %reshape3A_88 = vector.shape_cast %select_n3A_87 : vector<24x256xi32> to vector<24x256x1xi32>
    %gather3A_89 = vector.shape_cast %reshape3A_88 : vector<24x256x1xi32> to vector<24x256xi32>
    %gather3A_90 = tpu.dynamic_gather %slice3A_74[%gather3A_89] in [1] : vector<24x128xf32>, vector<24x256xi32> -> vector<24x256xf32>
    %lt3A_91 = arith.constant 128 : i32
    %lt3A_92 = vector.broadcast %lt3A_91 : i32 to vector<24x256xi32>
    %lt3A_93 = arith.cmpi slt, %broadcast_in_dim3A_59, %lt3A_92 : vector<24x256xi32>
    %select_n3A_94 = arith.select %lt3A_93, %gather3A_73, %gather3A_90 : vector<24x256xi1>, vector<24x256xf32>
    %broadcast_in_dim3A_95 = vector.shape_cast %argmax3A_56 : vector<256xi32> to vector<1x256xi32>
    %get3A_96 = arith.constant 2 : index
    %get3A_97 = arith.constant 0 : index
    %get3A_98 = arith.constant 0 : index
    %get3A_99 = vector.load %arg2[%get3A_96, %get3A_97, %get3A_98] : memref<32x256x24xf32, #tpu.memory_space<vmem>>, vector<1x256x24xf32>
    %get3A_100 = vector.shape_cast %get3A_99 : vector<1x256x24xf32> to vector<256x24xf32>
    %get3A_101 = arith.constant 2 : index
    %get3A_102 = arith.constant 0 : index
    %get3A_103 = arith.constant 0 : index
    %get3A_104 = vector.load %arg3[%get3A_101, %get3A_102, %get3A_103] : memref<32x24x256xf32, #tpu.memory_space<vmem>>, vector<1x24x256xf32>
    %get3A_105 = vector.shape_cast %get3A_104 : vector<1x24x256xf32> to vector<24x256xf32>
    %slice3A_106 = vector.extract_strided_slice %get3A_1 {offsets = [0, 48], sizes = [256, 24], strides = [1, 1]} : vector<256x768xf32> to vector<256x24xf32>
    %dot_general3A_107 = arith.constant dense<0.000000e+00> : vector<256x256xf32>
    %dot_general3A_108 = tpu.matmul %get3A_100, %slice3A_106, %dot_general3A_107 {dimension_numbers = #tpu.dot_dimension_numbers<[1], [1], [0], [0], [0, 0, 1, 0], [], []>, transpose_lhs_hint = false} : vector<256x24xf32>, vector<256x24xf32>, vector<256x256xf32> -> vector<256x256xf32>
    %argmax3A_109 = tpu.reduce_index %dot_general3A_108 {axis = 0 : i32, kind = #tpu.reduction_kind<arg_max>} : vector<256x256xf32> -> vector<256xi32>
    %broadcast_in_dim3A_110 = vector.shape_cast %argmax3A_109 : vector<256xi32> to vector<1x256xi32>
    %broadcast_in_dim3A_111 = vector.shape_cast %broadcast_in_dim3A_110 : vector<1x256xi32> to vector<1x256xi32>
    %broadcast_in_dim3A_112 = vector.broadcast %broadcast_in_dim3A_111 : vector<1x256xi32> to vector<24x256xi32>
    %slice3A_113 = vector.extract_strided_slice %get3A_105 {offsets = [0, 0], sizes = [24, 128], strides = [1, 1]} : vector<24x256xf32> to vector<24x128xf32>
    %min3A_114 = arith.constant 127 : i32
    %min3A_115 = vector.broadcast %min3A_114 : i32 to vector<24x256xi32>
    %min3A_116 = arith.minsi %broadcast_in_dim3A_112, %min3A_115 : vector<24x256xi32>
    %lt3A_117 = arith.constant 0 : i32
    %lt3A_118 = vector.broadcast %lt3A_117 : i32 to vector<24x256xi32>
    %lt3A_119 = arith.cmpi slt, %min3A_116, %lt3A_118 : vector<24x256xi32>
    %add3A_120 = arith.constant 128 : i32
    %add3A_121 = vector.broadcast %add3A_120 : i32 to vector<24x256xi32>
    %add3A_122 = arith.addi %min3A_116, %add3A_121 : vector<24x256xi32>
    %select_n3A_123 = arith.select %lt3A_119, %add3A_122, %min3A_116 : vector<24x256xi1>, vector<24x256xi32>
    %reshape3A_124 = vector.shape_cast %select_n3A_123 : vector<24x256xi32> to vector<24x256x1xi32>
    %gather3A_125 = vector.shape_cast %reshape3A_124 : vector<24x256x1xi32> to vector<24x256xi32>
    %gather3A_126 = tpu.dynamic_gather %slice3A_113[%gather3A_125] in [1] : vector<24x128xf32>, vector<24x256xi32> -> vector<24x256xf32>
    %slice3A_127 = vector.extract_strided_slice %get3A_105 {offsets = [0, 128], sizes = [24, 128], strides = [1, 1]} : vector<24x256xf32> to vector<24x128xf32>
    %sub3A_128 = arith.constant 128 : i32
    %sub3A_129 = vector.broadcast %sub3A_128 : i32 to vector<24x256xi32>
    %sub3A_130 = arith.subi %broadcast_in_dim3A_112, %sub3A_129 : vector<24x256xi32>
    %max3A_131 = arith.constant 0 : i32
    %max3A_132 = vector.broadcast %max3A_131 : i32 to vector<24x256xi32>
    %max3A_133 = arith.maxsi %sub3A_130, %max3A_132 : vector<24x256xi32>
    %lt3A_134 = arith.constant 0 : i32
    %lt3A_135 = vector.broadcast %lt3A_134 : i32 to vector<24x256xi32>
    %lt3A_136 = arith.cmpi slt, %max3A_133, %lt3A_135 : vector<24x256xi32>
    %add3A_137 = arith.constant 128 : i32
    %add3A_138 = vector.broadcast %add3A_137 : i32 to vector<24x256xi32>
    %add3A_139 = arith.addi %max3A_133, %add3A_138 : vector<24x256xi32>
    %select_n3A_140 = arith.select %lt3A_136, %add3A_139, %max3A_133 : vector<24x256xi1>, vector<24x256xi32>
    %reshape3A_141 = vector.shape_cast %select_n3A_140 : vector<24x256xi32> to vector<24x256x1xi32>
    %gather3A_142 = vector.shape_cast %reshape3A_141 : vector<24x256x1xi32> to vector<24x256xi32>
    %gather3A_143 = tpu.dynamic_gather %slice3A_127[%gather3A_142] in [1] : vector<24x128xf32>, vector<24x256xi32> -> vector<24x256xf32>
    %lt3A_144 = arith.constant 128 : i32
    %lt3A_145 = vector.broadcast %lt3A_144 : i32 to vector<24x256xi32>
    %lt3A_146 = arith.cmpi slt, %broadcast_in_dim3A_112, %lt3A_145 : vector<24x256xi32>
    %select_n3A_147 = arith.select %lt3A_146, %gather3A_126, %gather3A_143 : vector<24x256xi1>, vector<24x256xf32>
    %broadcast_in_dim3A_148 = vector.shape_cast %argmax3A_109 : vector<256xi32> to vector<1x256xi32>
    %get3A_149 = arith.constant 3 : index
    %get3A_150 = arith.constant 0 : index
    %get3A_151 = arith.constant 0 : index
    %get3A_152 = vector.load %arg2[%get3A_149, %get3A_150, %get3A_151] : memref<32x256x24xf32, #tpu.memory_space<vmem>>, vector<1x256x24xf32>
    %get3A_153 = vector.shape_cast %get3A_152 : vector<1x256x24xf32> to vector<256x24xf32>
    %get3A_154 = arith.constant 3 : index
    %get3A_155 = arith.constant 0 : index
    %get3A_156 = arith.constant 0 : index
    %get3A_157 = vector.load %arg3[%get3A_154, %get3A_155, %get3A_156] : memref<32x24x256xf32, #tpu.memory_space<vmem>>, vector<1x24x256xf32>
    %get3A_158 = vector.shape_cast %get3A_157 : vector<1x24x256xf32> to vector<24x256xf32>
    %slice3A_159 = vector.extract_strided_slice %get3A_1 {offsets = [0, 72], sizes = [256, 24], strides = [1, 1]} : vector<256x768xf32> to vector<256x24xf32>
    %dot_general3A_160 = arith.constant dense<0.000000e+00> : vector<256x256xf32>
    %dot_general3A_161 = tpu.matmul %get3A_153, %slice3A_159, %dot_general3A_160 {dimension_numbers = #tpu.dot_dimension_numbers<[1], [1], [0], [0], [0, 0, 1, 0], [], []>, transpose_lhs_hint = false} : vector<256x24xf32>, vector<256x24xf32>, vector<256x256xf32> -> vector<256x256xf32>
    %argmax3A_162 = tpu.reduce_index %dot_general3A_161 {axis = 0 : i32, kind = #tpu.reduction_kind<arg_max>} : vector<256x256xf32> -> vector<256xi32>
    %broadcast_in_dim3A_163 = vector.shape_cast %argmax3A_162 : vector<256xi32> to vector<1x256xi32>
    %broadcast_in_dim3A_164 = vector.shape_cast %broadcast_in_dim3A_163 : vector<1x256xi32> to vector<1x256xi32>
    %broadcast_in_dim3A_165 = vector.broadcast %broadcast_in_dim3A_164 : vector<1x256xi32> to vector<24x256xi32>
    %slice3A_166 = vector.extract_strided_slice %get3A_158 {offsets = [0, 0], sizes = [24, 128], strides = [1, 1]} : vector<24x256xf32> to vector<24x128xf32>
    %min3A_167 = arith.constant 127 : i32
    %min3A_168 = vector.broadcast %min3A_167 : i32 to vector<24x256xi32>
    %min3A_169 = arith.minsi %broadcast_in_dim3A_165, %min3A_168 : vector<24x256xi32>
    %lt3A_170 = arith.constant 0 : i32
    %lt3A_171 = vector.broadcast %lt3A_170 : i32 to vector<24x256xi32>
    %lt3A_172 = arith.cmpi slt, %min3A_169, %lt3A_171 : vector<24x256xi32>
    %add3A_173 = arith.constant 128 : i32
    %add3A_174 = vector.broadcast %add3A_173 : i32 to vector<24x256xi32>
    %add3A_175 = arith.addi %min3A_169, %add3A_174 : vector<24x256xi32>
    %select_n3A_176 = arith.select %lt3A_172, %add3A_175, %min3A_169 : vector<24x256xi1>, vector<24x256xi32>
    %reshape3A_177 = vector.shape_cast %select_n3A_176 : vector<24x256xi32> to vector<24x256x1xi32>
    %gather3A_178 = vector.shape_cast %reshape3A_177 : vector<24x256x1xi32> to vector<24x256xi32>
    %gather3A_179 = tpu.dynamic_gather %slice3A_166[%gather3A_178] in [1] : vector<24x128xf32>, vector<24x256xi32> -> vector<24x256xf32>
    %slice3A_180 = vector.extract_strided_slice %get3A_158 {offsets = [0, 128], sizes = [24, 128], strides = [1, 1]} : vector<24x256xf32> to vector<24x128xf32>
    %sub3A_181 = arith.constant 128 : i32
    %sub3A_182 = vector.broadcast %sub3A_181 : i32 to vector<24x256xi32>
    %sub3A_183 = arith.subi %broadcast_in_dim3A_165, %sub3A_182 : vector<24x256xi32>
    %max3A_184 = arith.constant 0 : i32
    %max3A_185 = vector.broadcast %max3A_184 : i32 to vector<24x256xi32>
    %max3A_186 = arith.maxsi %sub3A_183, %max3A_185 : vector<24x256xi32>
    %lt3A_187 = arith.constant 0 : i32
    %lt3A_188 = vector.broadcast %lt3A_187 : i32 to vector<24x256xi32>
    %lt3A_189 = arith.cmpi slt, %max3A_186, %lt3A_188 : vector<24x256xi32>
    %add3A_190 = arith.constant 128 : i32
    %add3A_191 = vector.broadcast %add3A_190 : i32 to vector<24x256xi32>
    %add3A_192 = arith.addi %max3A_186, %add3A_191 : vector<24x256xi32>
    %select_n3A_193 = arith.select %lt3A_189, %add3A_192, %max3A_186 : vector<24x256xi1>, vector<24x256xi32>
    %reshape3A_194 = vector.shape_cast %select_n3A_193 : vector<24x256xi32> to vector<24x256x1xi32>
    %gather3A_195 = vector.shape_cast %reshape3A_194 : vector<24x256x1xi32> to vector<24x256xi32>
    %gather3A_196 = tpu.dynamic_gather %slice3A_180[%gather3A_195] in [1] : vector<24x128xf32>, vector<24x256xi32> -> vector<24x256xf32>
    %lt3A_197 = arith.constant 128 : i32
    %lt3A_198 = vector.broadcast %lt3A_197 : i32 to vector<24x256xi32>
    %lt3A_199 = arith.cmpi slt, %broadcast_in_dim3A_165, %lt3A_198 : vector<24x256xi32>
    %select_n3A_200 = arith.select %lt3A_199, %gather3A_179, %gather3A_196 : vector<24x256xi1>, vector<24x256xf32>
    %broadcast_in_dim3A_201 = vector.shape_cast %argmax3A_162 : vector<256xi32> to vector<1x256xi32>
    %get3A_202 = arith.constant 4 : index
    %get3A_203 = arith.constant 0 : index
    %get3A_204 = arith.constant 0 : index
    %get3A_205 = vector.load %arg2[%get3A_202, %get3A_203, %get3A_204] : memref<32x256x24xf32, #tpu.memory_space<vmem>>, vector<1x256x24xf32>
    %get3A_206 = vector.shape_cast %get3A_205 : vector<1x256x24xf32> to vector<256x24xf32>
    %get3A_207 = arith.constant 4 : index
    %get3A_208 = arith.constant 0 : index
    %get3A_209 = arith.constant 0 : index
    %get3A_210 = vector.load %arg3[%get3A_207, %get3A_208, %get3A_209] : memref<32x24x256xf32, #tpu.memory_space<vmem>>, vector<1x24x256xf32>
    %get3A_211 = vector.shape_cast %get3A_210 : vector<1x24x256xf32> to vector<24x256xf32>
    %slice3A_212 = vector.extract_strided_slice %get3A_1 {offsets = [0, 96], sizes = [256, 24], strides = [1, 1]} : vector<256x768xf32> to vector<256x24xf32>
    %dot_general3A_213 = arith.constant dense<0.000000e+00> : vector<256x256xf32>
    %dot_general3A_214 = tpu.matmul %get3A_206, %slice3A_212, %dot_general3A_213 {dimension_numbers = #tpu.dot_dimension_numbers<[1], [1], [0], [0], [0, 0, 1, 0], [], []>, transpose_lhs_hint = false} : vector<256x24xf32>, vector<256x24xf32>, vector<256x256xf32> -> vector<256x256xf32>
    %argmax3A_215 = tpu.reduce_index %dot_general3A_214 {axis = 0 : i32, kind = #tpu.reduction_kind<arg_max>} : vector<256x256xf32> -> vector<256xi32>
    %broadcast_in_dim3A_216 = vector.shape_cast %argmax3A_215 : vector<256xi32> to vector<1x256xi32>
    %broadcast_in_dim3A_217 = vector.shape_cast %broadcast_in_dim3A_216 : vector<1x256xi32> to vector<1x256xi32>
    %broadcast_in_dim3A_218 = vector.broadcast %broadcast_in_dim3A_217 : vector<1x256xi32> to vector<24x256xi32>
    %slice3A_219 = vector.extract_strided_slice %get3A_211 {offsets = [0, 0], sizes = [24, 128], strides = [1, 1]} : vector<24x256xf32> to vector<24x128xf32>
    %min3A_220 = arith.constant 127 : i32
    %min3A_221 = vector.broadcast %min3A_220 : i32 to vector<24x256xi32>
    %min3A_222 = arith.minsi %broadcast_in_dim3A_218, %min3A_221 : vector<24x256xi32>
    %lt3A_223 = arith.constant 0 : i32
    %lt3A_224 = vector.broadcast %lt3A_223 : i32 to vector<24x256xi32>
    %lt3A_225 = arith.cmpi slt, %min3A_222, %lt3A_224 : vector<24x256xi32>
    %add3A_226 = arith.constant 128 : i32
    %add3A_227 = vector.broadcast %add3A_226 : i32 to vector<24x256xi32>
    %add3A_228 = arith.addi %min3A_222, %add3A_227 : vector<24x256xi32>
    %select_n3A_229 = arith.select %lt3A_225, %add3A_228, %min3A_222 : vector<24x256xi1>, vector<24x256xi32>
    %reshape3A_230 = vector.shape_cast %select_n3A_229 : vector<24x256xi32> to vector<24x256x1xi32>
    %gather3A_231 = vector.shape_cast %reshape3A_230 : vector<24x256x1xi32> to vector<24x256xi32>
    %gather3A_232 = tpu.dynamic_gather %slice3A_219[%gather3A_231] in [1] : vector<24x128xf32>, vector<24x256xi32> -> vector<24x256xf32>
    %slice3A_233 = vector.extract_strided_slice %get3A_211 {offsets = [0, 128], sizes = [24, 128], strides = [1, 1]} : vector<24x256xf32> to vector<24x128xf32>
    %sub3A_234 = arith.constant 128 : i32
    %sub3A_235 = vector.broadcast %sub3A_234 : i32 to vector<24x256xi32>
    %sub3A_236 = arith.subi %broadcast_in_dim3A_218, %sub3A_235 : vector<24x256xi32>
    %max3A_237 = arith.constant 0 : i32
    %max3A_238 = vector.broadcast %max3A_237 : i32 to vector<24x256xi32>
    %max3A_239 = arith.maxsi %sub3A_236, %max3A_238 : vector<24x256xi32>
    %lt3A_240 = arith.constant 0 : i32
    %lt3A_241 = vector.broadcast %lt3A_240 : i32 to vector<24x256xi32>
    %lt3A_242 = arith.cmpi slt, %max3A_239, %lt3A_241 : vector<24x256xi32>
    %add3A_243 = arith.constant 128 : i32
    %add3A_244 = vector.broadcast %add3A_243 : i32 to vector<24x256xi32>
    %add3A_245 = arith.addi %max3A_239, %add3A_244 : vector<24x256xi32>
    %select_n3A_246 = arith.select %lt3A_242, %add3A_245, %max3A_239 : vector<24x256xi1>, vector<24x256xi32>
    %reshape3A_247 = vector.shape_cast %select_n3A_246 : vector<24x256xi32> to vector<24x256x1xi32>
    %gather3A_248 = vector.shape_cast %reshape3A_247 : vector<24x256x1xi32> to vector<24x256xi32>
    %gather3A_249 = tpu.dynamic_gather %slice3A_233[%gather3A_248] in [1] : vector<24x128xf32>, vector<24x256xi32> -> vector<24x256xf32>
    %lt3A_250 = arith.constant 128 : i32
    %lt3A_251 = vector.broadcast %lt3A_250 : i32 to vector<24x256xi32>
    %lt3A_252 = arith.cmpi slt, %broadcast_in_dim3A_218, %lt3A_251 : vector<24x256xi32>
    %select_n3A_253 = arith.select %lt3A_252, %gather3A_232, %gather3A_249 : vector<24x256xi1>, vector<24x256xf32>
    %broadcast_in_dim3A_254 = vector.shape_cast %argmax3A_215 : vector<256xi32> to vector<1x256xi32>
    %get3A_255 = arith.constant 5 : index
    %get3A_256 = arith.constant 0 : index
    %get3A_257 = arith.constant 0 : index
    %get3A_258 = vector.load %arg2[%get3A_255, %get3A_256, %get3A_257] : memref<32x256x24xf32, #tpu.memory_space<vmem>>, vector<1x256x24xf32>
    %get3A_259 = vector.shape_cast %get3A_258 : vector<1x256x24xf32> to vector<256x24xf32>
    %get3A_260 = arith.constant 5 : index
    %get3A_261 = arith.constant 0 : index
    %get3A_262 = arith.constant 0 : index
    %get3A_263 = vector.load %arg3[%get3A_260, %get3A_261, %get3A_262] : memref<32x24x256xf32, #tpu.memory_space<vmem>>, vector<1x24x256xf32>
    %get3A_264 = vector.shape_cast %get3A_263 : vector<1x24x256xf32> to vector<24x256xf32>
    %slice3A_265 = vector.extract_strided_slice %get3A_1 {offsets = [0, 120], sizes = [256, 24], strides = [1, 1]} : vector<256x768xf32> to vector<256x24xf32>
    %dot_general3A_266 = arith.constant dense<0.000000e+00> : vector<256x256xf32>
    %dot_general3A_267 = tpu.matmul %get3A_259, %slice3A_265, %dot_general3A_266 {dimension_numbers = #tpu.dot_dimension_numbers<[1], [1], [0], [0], [0, 0, 1, 0], [], []>, transpose_lhs_hint = false} : vector<256x24xf32>, vector<256x24xf32>, vector<256x256xf32> -> vector<256x256xf32>
    %argmax3A_268 = tpu.reduce_index %dot_general3A_267 {axis = 0 : i32, kind = #tpu.reduction_kind<arg_max>} : vector<256x256xf32> -> vector<256xi32>
    %broadcast_in_dim3A_269 = vector.shape_cast %argmax3A_268 : vector<256xi32> to vector<1x256xi32>
    %broadcast_in_dim3A_270 = vector.shape_cast %broadcast_in_dim3A_269 : vector<1x256xi32> to vector<1x256xi32>
    %broadcast_in_dim3A_271 = vector.broadcast %broadcast_in_dim3A_270 : vector<1x256xi32> to vector<24x256xi32>
    %slice3A_272 = vector.extract_strided_slice %get3A_264 {offsets = [0, 0], sizes = [24, 128], strides = [1, 1]} : vector<24x256xf32> to vector<24x128xf32>
    %min3A_273 = arith.constant 127 : i32
    %min3A_274 = vector.broadcast %min3A_273 : i32 to vector<24x256xi32>
    %min3A_275 = arith.minsi %broadcast_in_dim3A_271, %min3A_274 : vector<24x256xi32>
    %lt3A_276 = arith.constant 0 : i32
    %lt3A_277 = vector.broadcast %lt3A_276 : i32 to vector<24x256xi32>
    %lt3A_278 = arith.cmpi slt, %min3A_275, %lt3A_277 : vector<24x256xi32>
    %add3A_279 = arith.constant 128 : i32
    %add3A_280 = vector.broadcast %add3A_279 : i32 to vector<24x256xi32>
    %add3A_281 = arith.addi %min3A_275, %add3A_280 : vector<24x256xi32>
    %select_n3A_282 = arith.select %lt3A_278, %add3A_281, %min3A_275 : vector<24x256xi1>, vector<24x256xi32>
    %reshape3A_283 = vector.shape_cast %select_n3A_282 : vector<24x256xi32> to vector<24x256x1xi32>
    %gather3A_284 = vector.shape_cast %reshape3A_283 : vector<24x256x1xi32> to vector<24x256xi32>
    %gather3A_285 = tpu.dynamic_gather %slice3A_272[%gather3A_284] in [1] : vector<24x128xf32>, vector<24x256xi32> -> vector<24x256xf32>
    %slice3A_286 = vector.extract_strided_slice %get3A_264 {offsets = [0, 128], sizes = [24, 128], strides = [1, 1]} : vector<24x256xf32> to vector<24x128xf32>
    %sub3A_287 = arith.constant 128 : i32
    %sub3A_288 = vector.broadcast %sub3A_287 : i32 to vector<24x256xi32>
    %sub3A_289 = arith.subi %broadcast_in_dim3A_271, %sub3A_288 : vector<24x256xi32>
    %max3A_290 = arith.constant 0 : i32
    %max3A_291 = vector.broadcast %max3A_290 : i32 to vector<24x256xi32>
    %max3A_292 = arith.maxsi %sub3A_289, %max3A_291 : vector<24x256xi32>
    %lt3A_293 = arith.constant 0 : i32
    %lt3A_294 = vector.broadcast %lt3A_293 : i32 to vector<24x256xi32>
    %lt3A_295 = arith.cmpi slt, %max3A_292, %lt3A_294 : vector<24x256xi32>
    %add3A_296 = arith.constant 128 : i32
    %add3A_297 = vector.broadcast %add3A_296 : i32 to vector<24x256xi32>
    %add3A_298 = arith.addi %max3A_292, %add3A_297 : vector<24x256xi32>
    %select_n3A_299 = arith.select %lt3A_295, %add3A_298, %max3A_292 : vector<24x256xi1>, vector<24x256xi32>
    %reshape3A_300 = vector.shape_cast %select_n3A_299 : vector<24x256xi32> to vector<24x256x1xi32>
    %gather3A_301 = vector.shape_cast %reshape3A_300 : vector<24x256x1xi32> to vector<24x256xi32>
    %gather3A_302 = tpu.dynamic_gather %slice3A_286[%gather3A_301] in [1] : vector<24x128xf32>, vector<24x256xi32> -> vector<24x256xf32>
    %lt3A_303 = arith.constant 128 : i32
    %lt3A_304 = vector.broadcast %lt3A_303 : i32 to vector<24x256xi32>
    %lt3A_305 = arith.cmpi slt, %broadcast_in_dim3A_271, %lt3A_304 : vector<24x256xi32>
    %select_n3A_306 = arith.select %lt3A_305, %gather3A_285, %gather3A_302 : vector<24x256xi1>, vector<24x256xf32>
    %broadcast_in_dim3A_307 = vector.shape_cast %argmax3A_268 : vector<256xi32> to vector<1x256xi32>
    %get3A_308 = arith.constant 6 : index
    %get3A_309 = arith.constant 0 : index
    %get3A_310 = arith.constant 0 : index
    %get3A_311 = vector.load %arg2[%get3A_308, %get3A_309, %get3A_310] : memref<32x256x24xf32, #tpu.memory_space<vmem>>, vector<1x256x24xf32>
    %get3A_312 = vector.shape_cast %get3A_311 : vector<1x256x24xf32> to vector<256x24xf32>
    %get3A_313 = arith.constant 6 : index
    %get3A_314 = arith.constant 0 : index
    %get3A_315 = arith.constant 0 : index
    %get3A_316 = vector.load %arg3[%get3A_313, %get3A_314, %get3A_315] : memref<32x24x256xf32, #tpu.memory_space<vmem>>, vector<1x24x256xf32>
    %get3A_317 = vector.shape_cast %get3A_316 : vector<1x24x256xf32> to vector<24x256xf32>
    %slice3A_318 = vector.extract_strided_slice %get3A_1 {offsets = [0, 144], sizes = [256, 24], strides = [1, 1]} : vector<256x768xf32> to vector<256x24xf32>
    %dot_general3A_319 = arith.constant dense<0.000000e+00> : vector<256x256xf32>
    %dot_general3A_320 = tpu.matmul %get3A_312, %slice3A_318, %dot_general3A_319 {dimension_numbers = #tpu.dot_dimension_numbers<[1], [1], [0], [0], [0, 0, 1, 0], [], []>, transpose_lhs_hint = false} : vector<256x24xf32>, vector<256x24xf32>, vector<256x256xf32> -> vector<256x256xf32>
    %argmax3A_321 = tpu.reduce_index %dot_general3A_320 {axis = 0 : i32, kind = #tpu.reduction_kind<arg_max>} : vector<256x256xf32> -> vector<256xi32>
    %broadcast_in_dim3A_322 = vector.shape_cast %argmax3A_321 : vector<256xi32> to vector<1x256xi32>
    %broadcast_in_dim3A_323 = vector.shape_cast %broadcast_in_dim3A_322 : vector<1x256xi32> to vector<1x256xi32>
    %broadcast_in_dim3A_324 = vector.broadcast %broadcast_in_dim3A_323 : vector<1x256xi32> to vector<24x256xi32>
    %slice3A_325 = vector.extract_strided_slice %get3A_317 {offsets = [0, 0], sizes = [24, 128], strides = [1, 1]} : vector<24x256xf32> to vector<24x128xf32>
    %min3A_326 = arith.constant 127 : i32
    %min3A_327 = vector.broadcast %min3A_326 : i32 to vector<24x256xi32>
    %min3A_328 = arith.minsi %broadcast_in_dim3A_324, %min3A_327 : vector<24x256xi32>
    %lt3A_329 = arith.constant 0 : i32
    %lt3A_330 = vector.broadcast %lt3A_329 : i32 to vector<24x256xi32>
    %lt3A_331 = arith.cmpi slt, %min3A_328, %lt3A_330 : vector<24x256xi32>
    %add3A_332 = arith.constant 128 : i32
    %add3A_333 = vector.broadcast %add3A_332 : i32 to vector<24x256xi32>
    %add3A_334 = arith.addi %min3A_328, %add3A_333 : vector<24x256xi32>
    %select_n3A_335 = arith.select %lt3A_331, %add3A_334, %min3A_328 : vector<24x256xi1>, vector<24x256xi32>
    %reshape3A_336 = vector.shape_cast %select_n3A_335 : vector<24x256xi32> to vector<24x256x1xi32>
    %gather3A_337 = vector.shape_cast %reshape3A_336 : vector<24x256x1xi32> to vector<24x256xi32>
    %gather3A_338 = tpu.dynamic_gather %slice3A_325[%gather3A_337] in [1] : vector<24x128xf32>, vector<24x256xi32> -> vector<24x256xf32>
    %slice3A_339 = vector.extract_strided_slice %get3A_317 {offsets = [0, 128], sizes = [24, 128], strides = [1, 1]} : vector<24x256xf32> to vector<24x128xf32>
    %sub3A_340 = arith.constant 128 : i32
    %sub3A_341 = vector.broadcast %sub3A_340 : i32 to vector<24x256xi32>
    %sub3A_342 = arith.subi %broadcast_in_dim3A_324, %sub3A_341 : vector<24x256xi32>
    %max3A_343 = arith.constant 0 : i32
    %max3A_344 = vector.broadcast %max3A_343 : i32 to vector<24x256xi32>
    %max3A_345 = arith.maxsi %sub3A_342, %max3A_344 : vector<24x256xi32>
    %lt3A_346 = arith.constant 0 : i32
    %lt3A_347 = vector.broadcast %lt3A_346 : i32 to vector<24x256xi32>
    %lt3A_348 = arith.cmpi slt, %max3A_345, %lt3A_347 : vector<24x256xi32>
    %add3A_349 = arith.constant 128 : i32
    %add3A_350 = vector.broadcast %add3A_349 : i32 to vector<24x256xi32>
    %add3A_351 = arith.addi %max3A_345, %add3A_350 : vector<24x256xi32>
    %select_n3A_352 = arith.select %lt3A_348, %add3A_351, %max3A_345 : vector<24x256xi1>, vector<24x256xi32>
    %reshape3A_353 = vector.shape_cast %select_n3A_352 : vector<24x256xi32> to vector<24x256x1xi32>
    %gather3A_354 = vector.shape_cast %reshape3A_353 : vector<24x256x1xi32> to vector<24x256xi32>
    %gather3A_355 = tpu.dynamic_gather %slice3A_339[%gather3A_354] in [1] : vector<24x128xf32>, vector<24x256xi32> -> vector<24x256xf32>
    %lt3A_356 = arith.constant 128 : i32
    %lt3A_357 = vector.broadcast %lt3A_356 : i32 to vector<24x256xi32>
    %lt3A_358 = arith.cmpi slt, %broadcast_in_dim3A_324, %lt3A_357 : vector<24x256xi32>
    %select_n3A_359 = arith.select %lt3A_358, %gather3A_338, %gather3A_355 : vector<24x256xi1>, vector<24x256xf32>
    %broadcast_in_dim3A_360 = vector.shape_cast %argmax3A_321 : vector<256xi32> to vector<1x256xi32>
    %get3A_361 = arith.constant 7 : index
    %get3A_362 = arith.constant 0 : index
    %get3A_363 = arith.constant 0 : index
    %get3A_364 = vector.load %arg2[%get3A_361, %get3A_362, %get3A_363] : memref<32x256x24xf32, #tpu.memory_space<vmem>>, vector<1x256x24xf32>
    %get3A_365 = vector.shape_cast %get3A_364 : vector<1x256x24xf32> to vector<256x24xf32>
    %get3A_366 = arith.constant 7 : index
    %get3A_367 = arith.constant 0 : index
    %get3A_368 = arith.constant 0 : index
    %get3A_369 = vector.load %arg3[%get3A_366, %get3A_367, %get3A_368] : memref<32x24x256xf32, #tpu.memory_space<vmem>>, vector<1x24x256xf32>
    %get3A_370 = vector.shape_cast %get3A_369 : vector<1x24x256xf32> to vector<24x256xf32>
    %slice3A_371 = vector.extract_strided_slice %get3A_1 {offsets = [0, 168], sizes = [256, 24], strides = [1, 1]} : vector<256x768xf32> to vector<256x24xf32>
    %dot_general3A_372 = arith.constant dense<0.000000e+00> : vector<256x256xf32>
    %dot_general3A_373 = tpu.matmul %get3A_365, %slice3A_371, %dot_general3A_372 {dimension_numbers = #tpu.dot_dimension_numbers<[1], [1], [0], [0], [0, 0, 1, 0], [], []>, transpose_lhs_hint = false} : vector<256x24xf32>, vector<256x24xf32>, vector<256x256xf32> -> vector<256x256xf32>
    %argmax3A_374 = tpu.reduce_index %dot_general3A_373 {axis = 0 : i32, kind = #tpu.reduction_kind<arg_max>} : vector<256x256xf32> -> vector<256xi32>
    %broadcast_in_dim3A_375 = vector.shape_cast %argmax3A_374 : vector<256xi32> to vector<1x256xi32>
    %broadcast_in_dim3A_376 = vector.shape_cast %broadcast_in_dim3A_375 : vector<1x256xi32> to vector<1x256xi32>
    %broadcast_in_dim3A_377 = vector.broadcast %broadcast_in_dim3A_376 : vector<1x256xi32> to vector<24x256xi32>
    %slice3A_378 = vector.extract_strided_slice %get3A_370 {offsets = [0, 0], sizes = [24, 128], strides = [1, 1]} : vector<24x256xf32> to vector<24x128xf32>
    %min3A_379 = arith.constant 127 : i32
    %min3A_380 = vector.broadcast %min3A_379 : i32 to vector<24x256xi32>
    %min3A_381 = arith.minsi %broadcast_in_dim3A_377, %min3A_380 : vector<24x256xi32>
    %lt3A_382 = arith.constant 0 : i32
    %lt3A_383 = vector.broadcast %lt3A_382 : i32 to vector<24x256xi32>
    %lt3A_384 = arith.cmpi slt, %min3A_381, %lt3A_383 : vector<24x256xi32>
    %add3A_385 = arith.constant 128 : i32
    %add3A_386 = vector.broadcast %add3A_385 : i32 to vector<24x256xi32>
    %add3A_387 = arith.addi %min3A_381, %add3A_386 : vector<24x256xi32>
    %select_n3A_388 = arith.select %lt3A_384, %add3A_387, %min3A_381 : vector<24x256xi1>, vector<24x256xi32>
    %reshape3A_389 = vector.shape_cast %select_n3A_388 : vector<24x256xi32> to vector<24x256x1xi32>
    %gather3A_390 = vector.shape_cast %reshape3A_389 : vector<24x256x1xi32> to vector<24x256xi32>
    %gather3A_391 = tpu.dynamic_gather %slice3A_378[%gather3A_390] in [1] : vector<24x128xf32>, vector<24x256xi32> -> vector<24x256xf32>
    %slice3A_392 = vector.extract_strided_slice %get3A_370 {offsets = [0, 128], sizes = [24, 128], strides = [1, 1]} : vector<24x256xf32> to vector<24x128xf32>
    %sub3A_393 = arith.constant 128 : i32
    %sub3A_394 = vector.broadcast %sub3A_393 : i32 to vector<24x256xi32>
    %sub3A_395 = arith.subi %broadcast_in_dim3A_377, %sub3A_394 : vector<24x256xi32>
    %max3A_396 = arith.constant 0 : i32
    %max3A_397 = vector.broadcast %max3A_396 : i32 to vector<24x256xi32>
    %max3A_398 = arith.maxsi %sub3A_395, %max3A_397 : vector<24x256xi32>
    %lt3A_399 = arith.constant 0 : i32
    %lt3A_400 = vector.broadcast %lt3A_399 : i32 to vector<24x256xi32>
    %lt3A_401 = arith.cmpi slt, %max3A_398, %lt3A_400 : vector<24x256xi32>
    %add3A_402 = arith.constant 128 : i32
    %add3A_403 = vector.broadcast %add3A_402 : i32 to vector<24x256xi32>
    %add3A_404 = arith.addi %max3A_398, %add3A_403 : vector<24x256xi32>
    %select_n3A_405 = arith.select %lt3A_401, %add3A_404, %max3A_398 : vector<24x256xi1>, vector<24x256xi32>
    %reshape3A_406 = vector.shape_cast %select_n3A_405 : vector<24x256xi32> to vector<24x256x1xi32>
    %gather3A_407 = vector.shape_cast %reshape3A_406 : vector<24x256x1xi32> to vector<24x256xi32>
    %gather3A_408 = tpu.dynamic_gather %slice3A_392[%gather3A_407] in [1] : vector<24x128xf32>, vector<24x256xi32> -> vector<24x256xf32>
    %lt3A_409 = arith.constant 128 : i32
    %lt3A_410 = vector.broadcast %lt3A_409 : i32 to vector<24x256xi32>
    %lt3A_411 = arith.cmpi slt, %broadcast_in_dim3A_377, %lt3A_410 : vector<24x256xi32>
    %select_n3A_412 = arith.select %lt3A_411, %gather3A_391, %gather3A_408 : vector<24x256xi1>, vector<24x256xf32>
    %broadcast_in_dim3A_413 = vector.shape_cast %argmax3A_374 : vector<256xi32> to vector<1x256xi32>
    %get3A_414 = arith.constant 8 : index
    %get3A_415 = arith.constant 0 : index
    %get3A_416 = arith.constant 0 : index
    %get3A_417 = vector.load %arg2[%get3A_414, %get3A_415, %get3A_416] : memref<32x256x24xf32, #tpu.memory_space<vmem>>, vector<1x256x24xf32>
    %get3A_418 = vector.shape_cast %get3A_417 : vector<1x256x24xf32> to vector<256x24xf32>
    %get3A_419 = arith.constant 8 : index
    %get3A_420 = arith.constant 0 : index
    %get3A_421 = arith.constant 0 : index
    %get3A_422 = vector.load %arg3[%get3A_419, %get3A_420, %get3A_421] : memref<32x24x256xf32, #tpu.memory_space<vmem>>, vector<1x24x256xf32>
    %get3A_423 = vector.shape_cast %get3A_422 : vector<1x24x256xf32> to vector<24x256xf32>
    %slice3A_424 = vector.extract_strided_slice %get3A_1 {offsets = [0, 192], sizes = [256, 24], strides = [1, 1]} : vector<256x768xf32> to vector<256x24xf32>
    %dot_general3A_425 = arith.constant dense<0.000000e+00> : vector<256x256xf32>
    %dot_general3A_426 = tpu.matmul %get3A_418, %slice3A_424, %dot_general3A_425 {dimension_numbers = #tpu.dot_dimension_numbers<[1], [1], [0], [0], [0, 0, 1, 0], [], []>, transpose_lhs_hint = false} : vector<256x24xf32>, vector<256x24xf32>, vector<256x256xf32> -> vector<256x256xf32>
    %argmax3A_427 = tpu.reduce_index %dot_general3A_426 {axis = 0 : i32, kind = #tpu.reduction_kind<arg_max>} : vector<256x256xf32> -> vector<256xi32>
    %broadcast_in_dim3A_428 = vector.shape_cast %argmax3A_427 : vector<256xi32> to vector<1x256xi32>
    %broadcast_in_dim3A_429 = vector.shape_cast %broadcast_in_dim3A_428 : vector<1x256xi32> to vector<1x256xi32>
    %broadcast_in_dim3A_430 = vector.broadcast %broadcast_in_dim3A_429 : vector<1x256xi32> to vector<24x256xi32>
    %slice3A_431 = vector.extract_strided_slice %get3A_423 {offsets = [0, 0], sizes = [24, 128], strides = [1, 1]} : vector<24x256xf32> to vector<24x128xf32>
    %min3A_432 = arith.constant 127 : i32
    %min3A_433 = vector.broadcast %min3A_432 : i32 to vector<24x256xi32>
    %min3A_434 = arith.minsi %broadcast_in_dim3A_430, %min3A_433 : vector<24x256xi32>
    %lt3A_435 = arith.constant 0 : i32
    %lt3A_436 = vector.broadcast %lt3A_435 : i32 to vector<24x256xi32>
    %lt3A_437 = arith.cmpi slt, %min3A_434, %lt3A_436 : vector<24x256xi32>
    %add3A_438 = arith.constant 128 : i32
    %add3A_439 = vector.broadcast %add3A_438 : i32 to vector<24x256xi32>
    %add3A_440 = arith.addi %min3A_434, %add3A_439 : vector<24x256xi32>
    %select_n3A_441 = arith.select %lt3A_437, %add3A_440, %min3A_434 : vector<24x256xi1>, vector<24x256xi32>
    %reshape3A_442 = vector.shape_cast %select_n3A_441 : vector<24x256xi32> to vector<24x256x1xi32>
    %gather3A_443 = vector.shape_cast %reshape3A_442 : vector<24x256x1xi32> to vector<24x256xi32>
    %gather3A_444 = tpu.dynamic_gather %slice3A_431[%gather3A_443] in [1] : vector<24x128xf32>, vector<24x256xi32> -> vector<24x256xf32>
    %slice3A_445 = vector.extract_strided_slice %get3A_423 {offsets = [0, 128], sizes = [24, 128], strides = [1, 1]} : vector<24x256xf32> to vector<24x128xf32>
    %sub3A_446 = arith.constant 128 : i32
    %sub3A_447 = vector.broadcast %sub3A_446 : i32 to vector<24x256xi32>
    %sub3A_448 = arith.subi %broadcast_in_dim3A_430, %sub3A_447 : vector<24x256xi32>
    %max3A_449 = arith.constant 0 : i32
    %max3A_450 = vector.broadcast %max3A_449 : i32 to vector<24x256xi32>
    %max3A_451 = arith.maxsi %sub3A_448, %max3A_450 : vector<24x256xi32>
    %lt3A_452 = arith.constant 0 : i32
    %lt3A_453 = vector.broadcast %lt3A_452 : i32 to vector<24x256xi32>
    %lt3A_454 = arith.cmpi slt, %max3A_451, %lt3A_453 : vector<24x256xi32>
    %add3A_455 = arith.constant 128 : i32
    %add3A_456 = vector.broadcast %add3A_455 : i32 to vector<24x256xi32>
    %add3A_457 = arith.addi %max3A_451, %add3A_456 : vector<24x256xi32>
    %select_n3A_458 = arith.select %lt3A_454, %add3A_457, %max3A_451 : vector<24x256xi1>, vector<24x256xi32>
    %reshape3A_459 = vector.shape_cast %select_n3A_458 : vector<24x256xi32> to vector<24x256x1xi32>
    %gather3A_460 = vector.shape_cast %reshape3A_459 : vector<24x256x1xi32> to vector<24x256xi32>
    %gather3A_461 = tpu.dynamic_gather %slice3A_445[%gather3A_460] in [1] : vector<24x128xf32>, vector<24x256xi32> -> vector<24x256xf32>
    %lt3A_462 = arith.constant 128 : i32
    %lt3A_463 = vector.broadcast %lt3A_462 : i32 to vector<24x256xi32>
    %lt3A_464 = arith.cmpi slt, %broadcast_in_dim3A_430, %lt3A_463 : vector<24x256xi32>
    %select_n3A_465 = arith.select %lt3A_464, %gather3A_444, %gather3A_461 : vector<24x256xi1>, vector<24x256xf32>
    %broadcast_in_dim3A_466 = vector.shape_cast %argmax3A_427 : vector<256xi32> to vector<1x256xi32>
    %get3A_467 = arith.constant 9 : index
    %get3A_468 = arith.constant 0 : index
    %get3A_469 = arith.constant 0 : index
    %get3A_470 = vector.load %arg2[%get3A_467, %get3A_468, %get3A_469] : memref<32x256x24xf32, #tpu.memory_space<vmem>>, vector<1x256x24xf32>
    %get3A_471 = vector.shape_cast %get3A_470 : vector<1x256x24xf32> to vector<256x24xf32>
    %get3A_472 = arith.constant 9 : index
    %get3A_473 = arith.constant 0 : index
    %get3A_474 = arith.constant 0 : index
    %get3A_475 = vector.load %arg3[%get3A_472, %get3A_473, %get3A_474] : memref<32x24x256xf32, #tpu.memory_space<vmem>>, vector<1x24x256xf32>
    %get3A_476 = vector.shape_cast %get3A_475 : vector<1x24x256xf32> to vector<24x256xf32>
    %slice3A_477 = vector.extract_strided_slice %get3A_1 {offsets = [0, 216], sizes = [256, 24], strides = [1, 1]} : vector<256x768xf32> to vector<256x24xf32>
    %dot_general3A_478 = arith.constant dense<0.000000e+00> : vector<256x256xf32>
    %dot_general3A_479 = tpu.matmul %get3A_471, %slice3A_477, %dot_general3A_478 {dimension_numbers = #tpu.dot_dimension_numbers<[1], [1], [0], [0], [0, 0, 1, 0], [], []>, transpose_lhs_hint = false} : vector<256x24xf32>, vector<256x24xf32>, vector<256x256xf32> -> vector<256x256xf32>
    %argmax3A_480 = tpu.reduce_index %dot_general3A_479 {axis = 0 : i32, kind = #tpu.reduction_kind<arg_max>} : vector<256x256xf32> -> vector<256xi32>
    %broadcast_in_dim3A_481 = vector.shape_cast %argmax3A_480 : vector<256xi32> to vector<1x256xi32>
    %broadcast_in_dim3A_482 = vector.shape_cast %broadcast_in_dim3A_481 : vector<1x256xi32> to vector<1x256xi32>
    %broadcast_in_dim3A_483 = vector.broadcast %broadcast_in_dim3A_482 : vector<1x256xi32> to vector<24x256xi32>
    %slice3A_484 = vector.extract_strided_slice %get3A_476 {offsets = [0, 0], sizes = [24, 128], strides = [1, 1]} : vector<24x256xf32> to vector<24x128xf32>
    %min3A_485 = arith.constant 127 : i32
    %min3A_486 = vector.broadcast %min3A_485 : i32 to vector<24x256xi32>
    %min3A_487 = arith.minsi %broadcast_in_dim3A_483, %min3A_486 : vector<24x256xi32>
    %lt3A_488 = arith.constant 0 : i32
    %lt3A_489 = vector.broadcast %lt3A_488 : i32 to vector<24x256xi32>
    %lt3A_490 = arith.cmpi slt, %min3A_487, %lt3A_489 : vector<24x256xi32>
    %add3A_491 = arith.constant 128 : i32
    %add3A_492 = vector.broadcast %add3A_491 : i32 to vector<24x256xi32>
    %add3A_493 = arith.addi %min3A_487, %add3A_492 : vector<24x256xi32>
    %select_n3A_494 = arith.select %lt3A_490, %add3A_493, %min3A_487 : vector<24x256xi1>, vector<24x256xi32>
    %reshape3A_495 = vector.shape_cast %select_n3A_494 : vector<24x256xi32> to vector<24x256x1xi32>
    %gather3A_496 = vector.shape_cast %reshape3A_495 : vector<24x256x1xi32> to vector<24x256xi32>
    %gather3A_497 = tpu.dynamic_gather %slice3A_484[%gather3A_496] in [1] : vector<24x128xf32>, vector<24x256xi32> -> vector<24x256xf32>
    %slice3A_498 = vector.extract_strided_slice %get3A_476 {offsets = [0, 128], sizes = [24, 128], strides = [1, 1]} : vector<24x256xf32> to vector<24x128xf32>
    %sub3A_499 = arith.constant 128 : i32
    %sub3A_500 = vector.broadcast %sub3A_499 : i32 to vector<24x256xi32>
    %sub3A_501 = arith.subi %broadcast_in_dim3A_483, %sub3A_500 : vector<24x256xi32>
    %max3A_502 = arith.constant 0 : i32
    %max3A_503 = vector.broadcast %max3A_502 : i32 to vector<24x256xi32>
    %max3A_504 = arith.maxsi %sub3A_501, %max3A_503 : vector<24x256xi32>
    %lt3A_505 = arith.constant 0 : i32
    %lt3A_506 = vector.broadcast %lt3A_505 : i32 to vector<24x256xi32>
    %lt3A_507 = arith.cmpi slt, %max3A_504, %lt3A_506 : vector<24x256xi32>
    %add3A_508 = arith.constant 128 : i32
    %add3A_509 = vector.broadcast %add3A_508 : i32 to vector<24x256xi32>
    %add3A_510 = arith.addi %max3A_504, %add3A_509 : vector<24x256xi32>
    %select_n3A_511 = arith.select %lt3A_507, %add3A_510, %max3A_504 : vector<24x256xi1>, vector<24x256xi32>
    %reshape3A_512 = vector.shape_cast %select_n3A_511 : vector<24x256xi32> to vector<24x256x1xi32>
    %gather3A_513 = vector.shape_cast %reshape3A_512 : vector<24x256x1xi32> to vector<24x256xi32>
    %gather3A_514 = tpu.dynamic_gather %slice3A_498[%gather3A_513] in [1] : vector<24x128xf32>, vector<24x256xi32> -> vector<24x256xf32>
    %lt3A_515 = arith.constant 128 : i32
    %lt3A_516 = vector.broadcast %lt3A_515 : i32 to vector<24x256xi32>
    %lt3A_517 = arith.cmpi slt, %broadcast_in_dim3A_483, %lt3A_516 : vector<24x256xi32>
    %select_n3A_518 = arith.select %lt3A_517, %gather3A_497, %gather3A_514 : vector<24x256xi1>, vector<24x256xf32>
    %broadcast_in_dim3A_519 = vector.shape_cast %argmax3A_480 : vector<256xi32> to vector<1x256xi32>
    %get3A_520 = arith.constant 10 : index
    %get3A_521 = arith.constant 0 : index
    %get3A_522 = arith.constant 0 : index
    %get3A_523 = vector.load %arg2[%get3A_520, %get3A_521, %get3A_522] : memref<32x256x24xf32, #tpu.memory_space<vmem>>, vector<1x256x24xf32>
    %get3A_524 = vector.shape_cast %get3A_523 : vector<1x256x24xf32> to vector<256x24xf32>
    %get3A_525 = arith.constant 10 : index
    %get3A_526 = arith.constant 0 : index
    %get3A_527 = arith.constant 0 : index
    %get3A_528 = vector.load %arg3[%get3A_525, %get3A_526, %get3A_527] : memref<32x24x256xf32, #tpu.memory_space<vmem>>, vector<1x24x256xf32>
    %get3A_529 = vector.shape_cast %get3A_528 : vector<1x24x256xf32> to vector<24x256xf32>
    %slice3A_530 = vector.extract_strided_slice %get3A_1 {offsets = [0, 240], sizes = [256, 24], strides = [1, 1]} : vector<256x768xf32> to vector<256x24xf32>
    %dot_general3A_531 = arith.constant dense<0.000000e+00> : vector<256x256xf32>
    %dot_general3A_532 = tpu.matmul %get3A_524, %slice3A_530, %dot_general3A_531 {dimension_numbers = #tpu.dot_dimension_numbers<[1], [1], [0], [0], [0, 0, 1, 0], [], []>, transpose_lhs_hint = false} : vector<256x24xf32>, vector<256x24xf32>, vector<256x256xf32> -> vector<256x256xf32>
    %argmax3A_533 = tpu.reduce_index %dot_general3A_532 {axis = 0 : i32, kind = #tpu.reduction_kind<arg_max>} : vector<256x256xf32> -> vector<256xi32>
    %broadcast_in_dim3A_534 = vector.shape_cast %argmax3A_533 : vector<256xi32> to vector<1x256xi32>
    %broadcast_in_dim3A_535 = vector.shape_cast %broadcast_in_dim3A_534 : vector<1x256xi32> to vector<1x256xi32>
    %broadcast_in_dim3A_536 = vector.broadcast %broadcast_in_dim3A_535 : vector<1x256xi32> to vector<24x256xi32>
    %slice3A_537 = vector.extract_strided_slice %get3A_529 {offsets = [0, 0], sizes = [24, 128], strides = [1, 1]} : vector<24x256xf32> to vector<24x128xf32>
    %min3A_538 = arith.constant 127 : i32
    %min3A_539 = vector.broadcast %min3A_538 : i32 to vector<24x256xi32>
    %min3A_540 = arith.minsi %broadcast_in_dim3A_536, %min3A_539 : vector<24x256xi32>
    %lt3A_541 = arith.constant 0 : i32
    %lt3A_542 = vector.broadcast %lt3A_541 : i32 to vector<24x256xi32>
    %lt3A_543 = arith.cmpi slt, %min3A_540, %lt3A_542 : vector<24x256xi32>
    %add3A_544 = arith.constant 128 : i32
    %add3A_545 = vector.broadcast %add3A_544 : i32 to vector<24x256xi32>
    %add3A_546 = arith.addi %min3A_540, %add3A_545 : vector<24x256xi32>
    %select_n3A_547 = arith.select %lt3A_543, %add3A_546, %min3A_540 : vector<24x256xi1>, vector<24x256xi32>
    %reshape3A_548 = vector.shape_cast %select_n3A_547 : vector<24x256xi32> to vector<24x256x1xi32>
    %gather3A_549 = vector.shape_cast %reshape3A_548 : vector<24x256x1xi32> to vector<24x256xi32>
    %gather3A_550 = tpu.dynamic_gather %slice3A_537[%gather3A_549] in [1] : vector<24x128xf32>, vector<24x256xi32> -> vector<24x256xf32>
    %slice3A_551 = vector.extract_strided_slice %get3A_529 {offsets = [0, 128], sizes = [24, 128], strides = [1, 1]} : vector<24x256xf32> to vector<24x128xf32>
    %sub3A_552 = arith.constant 128 : i32
    %sub3A_553 = vector.broadcast %sub3A_552 : i32 to vector<24x256xi32>
    %sub3A_554 = arith.subi %broadcast_in_dim3A_536, %sub3A_553 : vector<24x256xi32>
    %max3A_555 = arith.constant 0 : i32
    %max3A_556 = vector.broadcast %max3A_555 : i32 to vector<24x256xi32>
    %max3A_557 = arith.maxsi %sub3A_554, %max3A_556 : vector<24x256xi32>
    %lt3A_558 = arith.constant 0 : i32
    %lt3A_559 = vector.broadcast %lt3A_558 : i32 to vector<24x256xi32>
    %lt3A_560 = arith.cmpi slt, %max3A_557, %lt3A_559 : vector<24x256xi32>
    %add3A_561 = arith.constant 128 : i32
    %add3A_562 = vector.broadcast %add3A_561 : i32 to vector<24x256xi32>
    %add3A_563 = arith.addi %max3A_557, %add3A_562 : vector<24x256xi32>
    %select_n3A_564 = arith.select %lt3A_560, %add3A_563, %max3A_557 : vector<24x256xi1>, vector<24x256xi32>
    %reshape3A_565 = vector.shape_cast %select_n3A_564 : vector<24x256xi32> to vector<24x256x1xi32>
    %gather3A_566 = vector.shape_cast %reshape3A_565 : vector<24x256x1xi32> to vector<24x256xi32>
    %gather3A_567 = tpu.dynamic_gather %slice3A_551[%gather3A_566] in [1] : vector<24x128xf32>, vector<24x256xi32> -> vector<24x256xf32>
    %lt3A_568 = arith.constant 128 : i32
    %lt3A_569 = vector.broadcast %lt3A_568 : i32 to vector<24x256xi32>
    %lt3A_570 = arith.cmpi slt, %broadcast_in_dim3A_536, %lt3A_569 : vector<24x256xi32>
    %select_n3A_571 = arith.select %lt3A_570, %gather3A_550, %gather3A_567 : vector<24x256xi1>, vector<24x256xf32>
    %broadcast_in_dim3A_572 = vector.shape_cast %argmax3A_533 : vector<256xi32> to vector<1x256xi32>
    %get3A_573 = arith.constant 11 : index
    %get3A_574 = arith.constant 0 : index
    %get3A_575 = arith.constant 0 : index
    %get3A_576 = vector.load %arg2[%get3A_573, %get3A_574, %get3A_575] : memref<32x256x24xf32, #tpu.memory_space<vmem>>, vector<1x256x24xf32>
    %get3A_577 = vector.shape_cast %get3A_576 : vector<1x256x24xf32> to vector<256x24xf32>
    %get3A_578 = arith.constant 11 : index
    %get3A_579 = arith.constant 0 : index
    %get3A_580 = arith.constant 0 : index
    %get3A_581 = vector.load %arg3[%get3A_578, %get3A_579, %get3A_580] : memref<32x24x256xf32, #tpu.memory_space<vmem>>, vector<1x24x256xf32>
    %get3A_582 = vector.shape_cast %get3A_581 : vector<1x24x256xf32> to vector<24x256xf32>
    %slice3A_583 = vector.extract_strided_slice %get3A_1 {offsets = [0, 264], sizes = [256, 24], strides = [1, 1]} : vector<256x768xf32> to vector<256x24xf32>
    %dot_general3A_584 = arith.constant dense<0.000000e+00> : vector<256x256xf32>
    %dot_general3A_585 = tpu.matmul %get3A_577, %slice3A_583, %dot_general3A_584 {dimension_numbers = #tpu.dot_dimension_numbers<[1], [1], [0], [0], [0, 0, 1, 0], [], []>, transpose_lhs_hint = false} : vector<256x24xf32>, vector<256x24xf32>, vector<256x256xf32> -> vector<256x256xf32>
    %argmax3A_586 = tpu.reduce_index %dot_general3A_585 {axis = 0 : i32, kind = #tpu.reduction_kind<arg_max>} : vector<256x256xf32> -> vector<256xi32>
    %broadcast_in_dim3A_587 = vector.shape_cast %argmax3A_586 : vector<256xi32> to vector<1x256xi32>
    %broadcast_in_dim3A_588 = vector.shape_cast %broadcast_in_dim3A_587 : vector<1x256xi32> to vector<1x256xi32>
    %broadcast_in_dim3A_589 = vector.broadcast %broadcast_in_dim3A_588 : vector<1x256xi32> to vector<24x256xi32>
    %slice3A_590 = vector.extract_strided_slice %get3A_582 {offsets = [0, 0], sizes = [24, 128], strides = [1, 1]} : vector<24x256xf32> to vector<24x128xf32>
    %min3A_591 = arith.constant 127 : i32
    %min3A_592 = vector.broadcast %min3A_591 : i32 to vector<24x256xi32>
    %min3A_593 = arith.minsi %broadcast_in_dim3A_589, %min3A_592 : vector<24x256xi32>
    %lt3A_594 = arith.constant 0 : i32
    %lt3A_595 = vector.broadcast %lt3A_594 : i32 to vector<24x256xi32>
    %lt3A_596 = arith.cmpi slt, %min3A_593, %lt3A_595 : vector<24x256xi32>
    %add3A_597 = arith.constant 128 : i32
    %add3A_598 = vector.broadcast %add3A_597 : i32 to vector<24x256xi32>
    %add3A_599 = arith.addi %min3A_593, %add3A_598 : vector<24x256xi32>
    %select_n3A_600 = arith.select %lt3A_596, %add3A_599, %min3A_593 : vector<24x256xi1>, vector<24x256xi32>
    %reshape3A_601 = vector.shape_cast %select_n3A_600 : vector<24x256xi32> to vector<24x256x1xi32>
    %gather3A_602 = vector.shape_cast %reshape3A_601 : vector<24x256x1xi32> to vector<24x256xi32>
    %gather3A_603 = tpu.dynamic_gather %slice3A_590[%gather3A_602] in [1] : vector<24x128xf32>, vector<24x256xi32> -> vector<24x256xf32>
    %slice3A_604 = vector.extract_strided_slice %get3A_582 {offsets = [0, 128], sizes = [24, 128], strides = [1, 1]} : vector<24x256xf32> to vector<24x128xf32>
    %sub3A_605 = arith.constant 128 : i32
    %sub3A_606 = vector.broadcast %sub3A_605 : i32 to vector<24x256xi32>
    %sub3A_607 = arith.subi %broadcast_in_dim3A_589, %sub3A_606 : vector<24x256xi32>
    %max3A_608 = arith.constant 0 : i32
    %max3A_609 = vector.broadcast %max3A_608 : i32 to vector<24x256xi32>
    %max3A_610 = arith.maxsi %sub3A_607, %max3A_609 : vector<24x256xi32>
    %lt3A_611 = arith.constant 0 : i32
    %lt3A_612 = vector.broadcast %lt3A_611 : i32 to vector<24x256xi32>
    %lt3A_613 = arith.cmpi slt, %max3A_610, %lt3A_612 : vector<24x256xi32>
    %add3A_614 = arith.constant 128 : i32
    %add3A_615 = vector.broadcast %add3A_614 : i32 to vector<24x256xi32>
    %add3A_616 = arith.addi %max3A_610, %add3A_615 : vector<24x256xi32>
    %select_n3A_617 = arith.select %lt3A_613, %add3A_616, %max3A_610 : vector<24x256xi1>, vector<24x256xi32>
    %reshape3A_618 = vector.shape_cast %select_n3A_617 : vector<24x256xi32> to vector<24x256x1xi32>
    %gather3A_619 = vector.shape_cast %reshape3A_618 : vector<24x256x1xi32> to vector<24x256xi32>
    %gather3A_620 = tpu.dynamic_gather %slice3A_604[%gather3A_619] in [1] : vector<24x128xf32>, vector<24x256xi32> -> vector<24x256xf32>
    %lt3A_621 = arith.constant 128 : i32
    %lt3A_622 = vector.broadcast %lt3A_621 : i32 to vector<24x256xi32>
    %lt3A_623 = arith.cmpi slt, %broadcast_in_dim3A_589, %lt3A_622 : vector<24x256xi32>
    %select_n3A_624 = arith.select %lt3A_623, %gather3A_603, %gather3A_620 : vector<24x256xi1>, vector<24x256xf32>
    %broadcast_in_dim3A_625 = vector.shape_cast %argmax3A_586 : vector<256xi32> to vector<1x256xi32>
    %get3A_626 = arith.constant 12 : index
    %get3A_627 = arith.constant 0 : index
    %get3A_628 = arith.constant 0 : index
    %get3A_629 = vector.load %arg2[%get3A_626, %get3A_627, %get3A_628] : memref<32x256x24xf32, #tpu.memory_space<vmem>>, vector<1x256x24xf32>
    %get3A_630 = vector.shape_cast %get3A_629 : vector<1x256x24xf32> to vector<256x24xf32>
    %get3A_631 = arith.constant 12 : index
    %get3A_632 = arith.constant 0 : index
    %get3A_633 = arith.constant 0 : index
    %get3A_634 = vector.load %arg3[%get3A_631, %get3A_632, %get3A_633] : memref<32x24x256xf32, #tpu.memory_space<vmem>>, vector<1x24x256xf32>
    %get3A_635 = vector.shape_cast %get3A_634 : vector<1x24x256xf32> to vector<24x256xf32>
    %slice3A_636 = vector.extract_strided_slice %get3A_1 {offsets = [0, 288], sizes = [256, 24], strides = [1, 1]} : vector<256x768xf32> to vector<256x24xf32>
    %dot_general3A_637 = arith.constant dense<0.000000e+00> : vector<256x256xf32>
    %dot_general3A_638 = tpu.matmul %get3A_630, %slice3A_636, %dot_general3A_637 {dimension_numbers = #tpu.dot_dimension_numbers<[1], [1], [0], [0], [0, 0, 1, 0], [], []>, transpose_lhs_hint = false} : vector<256x24xf32>, vector<256x24xf32>, vector<256x256xf32> -> vector<256x256xf32>
    %argmax3A_639 = tpu.reduce_index %dot_general3A_638 {axis = 0 : i32, kind = #tpu.reduction_kind<arg_max>} : vector<256x256xf32> -> vector<256xi32>
    %broadcast_in_dim3A_640 = vector.shape_cast %argmax3A_639 : vector<256xi32> to vector<1x256xi32>
    %broadcast_in_dim3A_641 = vector.shape_cast %broadcast_in_dim3A_640 : vector<1x256xi32> to vector<1x256xi32>
    %broadcast_in_dim3A_642 = vector.broadcast %broadcast_in_dim3A_641 : vector<1x256xi32> to vector<24x256xi32>
    %slice3A_643 = vector.extract_strided_slice %get3A_635 {offsets = [0, 0], sizes = [24, 128], strides = [1, 1]} : vector<24x256xf32> to vector<24x128xf32>
    %min3A_644 = arith.constant 127 : i32
    %min3A_645 = vector.broadcast %min3A_644 : i32 to vector<24x256xi32>
    %min3A_646 = arith.minsi %broadcast_in_dim3A_642, %min3A_645 : vector<24x256xi32>
    %lt3A_647 = arith.constant 0 : i32
    %lt3A_648 = vector.broadcast %lt3A_647 : i32 to vector<24x256xi32>
    %lt3A_649 = arith.cmpi slt, %min3A_646, %lt3A_648 : vector<24x256xi32>
    %add3A_650 = arith.constant 128 : i32
    %add3A_651 = vector.broadcast %add3A_650 : i32 to vector<24x256xi32>
    %add3A_652 = arith.addi %min3A_646, %add3A_651 : vector<24x256xi32>
    %select_n3A_653 = arith.select %lt3A_649, %add3A_652, %min3A_646 : vector<24x256xi1>, vector<24x256xi32>
    %reshape3A_654 = vector.shape_cast %select_n3A_653 : vector<24x256xi32> to vector<24x256x1xi32>
    %gather3A_655 = vector.shape_cast %reshape3A_654 : vector<24x256x1xi32> to vector<24x256xi32>
    %gather3A_656 = tpu.dynamic_gather %slice3A_643[%gather3A_655] in [1] : vector<24x128xf32>, vector<24x256xi32> -> vector<24x256xf32>
    %slice3A_657 = vector.extract_strided_slice %get3A_635 {offsets = [0, 128], sizes = [24, 128], strides = [1, 1]} : vector<24x256xf32> to vector<24x128xf32>
    %sub3A_658 = arith.constant 128 : i32
    %sub3A_659 = vector.broadcast %sub3A_658 : i32 to vector<24x256xi32>
    %sub3A_660 = arith.subi %broadcast_in_dim3A_642, %sub3A_659 : vector<24x256xi32>
    %max3A_661 = arith.constant 0 : i32
    %max3A_662 = vector.broadcast %max3A_661 : i32 to vector<24x256xi32>
    %max3A_663 = arith.maxsi %sub3A_660, %max3A_662 : vector<24x256xi32>
    %lt3A_664 = arith.constant 0 : i32
    %lt3A_665 = vector.broadcast %lt3A_664 : i32 to vector<24x256xi32>
    %lt3A_666 = arith.cmpi slt, %max3A_663, %lt3A_665 : vector<24x256xi32>
    %add3A_667 = arith.constant 128 : i32
    %add3A_668 = vector.broadcast %add3A_667 : i32 to vector<24x256xi32>
    %add3A_669 = arith.addi %max3A_663, %add3A_668 : vector<24x256xi32>
    %select_n3A_670 = arith.select %lt3A_666, %add3A_669, %max3A_663 : vector<24x256xi1>, vector<24x256xi32>
    %reshape3A_671 = vector.shape_cast %select_n3A_670 : vector<24x256xi32> to vector<24x256x1xi32>
    %gather3A_672 = vector.shape_cast %reshape3A_671 : vector<24x256x1xi32> to vector<24x256xi32>
    %gather3A_673 = tpu.dynamic_gather %slice3A_657[%gather3A_672] in [1] : vector<24x128xf32>, vector<24x256xi32> -> vector<24x256xf32>
    %lt3A_674 = arith.constant 128 : i32
    %lt3A_675 = vector.broadcast %lt3A_674 : i32 to vector<24x256xi32>
    %lt3A_676 = arith.cmpi slt, %broadcast_in_dim3A_642, %lt3A_675 : vector<24x256xi32>
    %select_n3A_677 = arith.select %lt3A_676, %gather3A_656, %gather3A_673 : vector<24x256xi1>, vector<24x256xf32>
    %broadcast_in_dim3A_678 = vector.shape_cast %argmax3A_639 : vector<256xi32> to vector<1x256xi32>
    %get3A_679 = arith.constant 13 : index
    %get3A_680 = arith.constant 0 : index
    %get3A_681 = arith.constant 0 : index
    %get3A_682 = vector.load %arg2[%get3A_679, %get3A_680, %get3A_681] : memref<32x256x24xf32, #tpu.memory_space<vmem>>, vector<1x256x24xf32>
    %get3A_683 = vector.shape_cast %get3A_682 : vector<1x256x24xf32> to vector<256x24xf32>
    %get3A_684 = arith.constant 13 : index
    %get3A_685 = arith.constant 0 : index
    %get3A_686 = arith.constant 0 : index
    %get3A_687 = vector.load %arg3[%get3A_684, %get3A_685, %get3A_686] : memref<32x24x256xf32, #tpu.memory_space<vmem>>, vector<1x24x256xf32>
    %get3A_688 = vector.shape_cast %get3A_687 : vector<1x24x256xf32> to vector<24x256xf32>
    %slice3A_689 = vector.extract_strided_slice %get3A_1 {offsets = [0, 312], sizes = [256, 24], strides = [1, 1]} : vector<256x768xf32> to vector<256x24xf32>
    %dot_general3A_690 = arith.constant dense<0.000000e+00> : vector<256x256xf32>
    %dot_general3A_691 = tpu.matmul %get3A_683, %slice3A_689, %dot_general3A_690 {dimension_numbers = #tpu.dot_dimension_numbers<[1], [1], [0], [0], [0, 0, 1, 0], [], []>, transpose_lhs_hint = false} : vector<256x24xf32>, vector<256x24xf32>, vector<256x256xf32> -> vector<256x256xf32>
    %argmax3A_692 = tpu.reduce_index %dot_general3A_691 {axis = 0 : i32, kind = #tpu.reduction_kind<arg_max>} : vector<256x256xf32> -> vector<256xi32>
    %broadcast_in_dim3A_693 = vector.shape_cast %argmax3A_692 : vector<256xi32> to vector<1x256xi32>
    %broadcast_in_dim3A_694 = vector.shape_cast %broadcast_in_dim3A_693 : vector<1x256xi32> to vector<1x256xi32>
    %broadcast_in_dim3A_695 = vector.broadcast %broadcast_in_dim3A_694 : vector<1x256xi32> to vector<24x256xi32>
    %slice3A_696 = vector.extract_strided_slice %get3A_688 {offsets = [0, 0], sizes = [24, 128], strides = [1, 1]} : vector<24x256xf32> to vector<24x128xf32>
    %min3A_697 = arith.constant 127 : i32
    %min3A_698 = vector.broadcast %min3A_697 : i32 to vector<24x256xi32>
    %min3A_699 = arith.minsi %broadcast_in_dim3A_695, %min3A_698 : vector<24x256xi32>
    %lt3A_700 = arith.constant 0 : i32
    %lt3A_701 = vector.broadcast %lt3A_700 : i32 to vector<24x256xi32>
    %lt3A_702 = arith.cmpi slt, %min3A_699, %lt3A_701 : vector<24x256xi32>
    %add3A_703 = arith.constant 128 : i32
    %add3A_704 = vector.broadcast %add3A_703 : i32 to vector<24x256xi32>
    %add3A_705 = arith.addi %min3A_699, %add3A_704 : vector<24x256xi32>
    %select_n3A_706 = arith.select %lt3A_702, %add3A_705, %min3A_699 : vector<24x256xi1>, vector<24x256xi32>
    %reshape3A_707 = vector.shape_cast %select_n3A_706 : vector<24x256xi32> to vector<24x256x1xi32>
    %gather3A_708 = vector.shape_cast %reshape3A_707 : vector<24x256x1xi32> to vector<24x256xi32>
    %gather3A_709 = tpu.dynamic_gather %slice3A_696[%gather3A_708] in [1] : vector<24x128xf32>, vector<24x256xi32> -> vector<24x256xf32>
    %slice3A_710 = vector.extract_strided_slice %get3A_688 {offsets = [0, 128], sizes = [24, 128], strides = [1, 1]} : vector<24x256xf32> to vector<24x128xf32>
    %sub3A_711 = arith.constant 128 : i32
    %sub3A_712 = vector.broadcast %sub3A_711 : i32 to vector<24x256xi32>
    %sub3A_713 = arith.subi %broadcast_in_dim3A_695, %sub3A_712 : vector<24x256xi32>
    %max3A_714 = arith.constant 0 : i32
    %max3A_715 = vector.broadcast %max3A_714 : i32 to vector<24x256xi32>
    %max3A_716 = arith.maxsi %sub3A_713, %max3A_715 : vector<24x256xi32>
    %lt3A_717 = arith.constant 0 : i32
    %lt3A_718 = vector.broadcast %lt3A_717 : i32 to vector<24x256xi32>
    %lt3A_719 = arith.cmpi slt, %max3A_716, %lt3A_718 : vector<24x256xi32>
    %add3A_720 = arith.constant 128 : i32
    %add3A_721 = vector.broadcast %add3A_720 : i32 to vector<24x256xi32>
    %add3A_722 = arith.addi %max3A_716, %add3A_721 : vector<24x256xi32>
    %select_n3A_723 = arith.select %lt3A_719, %add3A_722, %max3A_716 : vector<24x256xi1>, vector<24x256xi32>
    %reshape3A_724 = vector.shape_cast %select_n3A_723 : vector<24x256xi32> to vector<24x256x1xi32>
    %gather3A_725 = vector.shape_cast %reshape3A_724 : vector<24x256x1xi32> to vector<24x256xi32>
    %gather3A_726 = tpu.dynamic_gather %slice3A_710[%gather3A_725] in [1] : vector<24x128xf32>, vector<24x256xi32> -> vector<24x256xf32>
    %lt3A_727 = arith.constant 128 : i32
    %lt3A_728 = vector.broadcast %lt3A_727 : i32 to vector<24x256xi32>
    %lt3A_729 = arith.cmpi slt, %broadcast_in_dim3A_695, %lt3A_728 : vector<24x256xi32>
    %select_n3A_730 = arith.select %lt3A_729, %gather3A_709, %gather3A_726 : vector<24x256xi1>, vector<24x256xf32>
    %broadcast_in_dim3A_731 = vector.shape_cast %argmax3A_692 : vector<256xi32> to vector<1x256xi32>
    %get3A_732 = arith.constant 14 : index
    %get3A_733 = arith.constant 0 : index
    %get3A_734 = arith.constant 0 : index
    %get3A_735 = vector.load %arg2[%get3A_732, %get3A_733, %get3A_734] : memref<32x256x24xf32, #tpu.memory_space<vmem>>, vector<1x256x24xf32>
    %get3A_736 = vector.shape_cast %get3A_735 : vector<1x256x24xf32> to vector<256x24xf32>
    %get3A_737 = arith.constant 14 : index
    %get3A_738 = arith.constant 0 : index
    %get3A_739 = arith.constant 0 : index
    %get3A_740 = vector.load %arg3[%get3A_737, %get3A_738, %get3A_739] : memref<32x24x256xf32, #tpu.memory_space<vmem>>, vector<1x24x256xf32>
    %get3A_741 = vector.shape_cast %get3A_740 : vector<1x24x256xf32> to vector<24x256xf32>
    %slice3A_742 = vector.extract_strided_slice %get3A_1 {offsets = [0, 336], sizes = [256, 24], strides = [1, 1]} : vector<256x768xf32> to vector<256x24xf32>
    %dot_general3A_743 = arith.constant dense<0.000000e+00> : vector<256x256xf32>
    %dot_general3A_744 = tpu.matmul %get3A_736, %slice3A_742, %dot_general3A_743 {dimension_numbers = #tpu.dot_dimension_numbers<[1], [1], [0], [0], [0, 0, 1, 0], [], []>, transpose_lhs_hint = false} : vector<256x24xf32>, vector<256x24xf32>, vector<256x256xf32> -> vector<256x256xf32>
    %argmax3A_745 = tpu.reduce_index %dot_general3A_744 {axis = 0 : i32, kind = #tpu.reduction_kind<arg_max>} : vector<256x256xf32> -> vector<256xi32>
    %broadcast_in_dim3A_746 = vector.shape_cast %argmax3A_745 : vector<256xi32> to vector<1x256xi32>
    %broadcast_in_dim3A_747 = vector.shape_cast %broadcast_in_dim3A_746 : vector<1x256xi32> to vector<1x256xi32>
    %broadcast_in_dim3A_748 = vector.broadcast %broadcast_in_dim3A_747 : vector<1x256xi32> to vector<24x256xi32>
    %slice3A_749 = vector.extract_strided_slice %get3A_741 {offsets = [0, 0], sizes = [24, 128], strides = [1, 1]} : vector<24x256xf32> to vector<24x128xf32>
    %min3A_750 = arith.constant 127 : i32
    %min3A_751 = vector.broadcast %min3A_750 : i32 to vector<24x256xi32>
    %min3A_752 = arith.minsi %broadcast_in_dim3A_748, %min3A_751 : vector<24x256xi32>
    %lt3A_753 = arith.constant 0 : i32
    %lt3A_754 = vector.broadcast %lt3A_753 : i32 to vector<24x256xi32>
    %lt3A_755 = arith.cmpi slt, %min3A_752, %lt3A_754 : vector<24x256xi32>
    %add3A_756 = arith.constant 128 : i32
    %add3A_757 = vector.broadcast %add3A_756 : i32 to vector<24x256xi32>
    %add3A_758 = arith.addi %min3A_752, %add3A_757 : vector<24x256xi32>
    %select_n3A_759 = arith.select %lt3A_755, %add3A_758, %min3A_752 : vector<24x256xi1>, vector<24x256xi32>
    %reshape3A_760 = vector.shape_cast %select_n3A_759 : vector<24x256xi32> to vector<24x256x1xi32>
    %gather3A_761 = vector.shape_cast %reshape3A_760 : vector<24x256x1xi32> to vector<24x256xi32>
    %gather3A_762 = tpu.dynamic_gather %slice3A_749[%gather3A_761] in [1] : vector<24x128xf32>, vector<24x256xi32> -> vector<24x256xf32>
    %slice3A_763 = vector.extract_strided_slice %get3A_741 {offsets = [0, 128], sizes = [24, 128], strides = [1, 1]} : vector<24x256xf32> to vector<24x128xf32>
    %sub3A_764 = arith.constant 128 : i32
    %sub3A_765 = vector.broadcast %sub3A_764 : i32 to vector<24x256xi32>
    %sub3A_766 = arith.subi %broadcast_in_dim3A_748, %sub3A_765 : vector<24x256xi32>
    %max3A_767 = arith.constant 0 : i32
    %max3A_768 = vector.broadcast %max3A_767 : i32 to vector<24x256xi32>
    %max3A_769 = arith.maxsi %sub3A_766, %max3A_768 : vector<24x256xi32>
    %lt3A_770 = arith.constant 0 : i32
    %lt3A_771 = vector.broadcast %lt3A_770 : i32 to vector<24x256xi32>
    %lt3A_772 = arith.cmpi slt, %max3A_769, %lt3A_771 : vector<24x256xi32>
    %add3A_773 = arith.constant 128 : i32
    %add3A_774 = vector.broadcast %add3A_773 : i32 to vector<24x256xi32>
    %add3A_775 = arith.addi %max3A_769, %add3A_774 : vector<24x256xi32>
    %select_n3A_776 = arith.select %lt3A_772, %add3A_775, %max3A_769 : vector<24x256xi1>, vector<24x256xi32>
    %reshape3A_777 = vector.shape_cast %select_n3A_776 : vector<24x256xi32> to vector<24x256x1xi32>
    %gather3A_778 = vector.shape_cast %reshape3A_777 : vector<24x256x1xi32> to vector<24x256xi32>
    %gather3A_779 = tpu.dynamic_gather %slice3A_763[%gather3A_778] in [1] : vector<24x128xf32>, vector<24x256xi32> -> vector<24x256xf32>
    %lt3A_780 = arith.constant 128 : i32
    %lt3A_781 = vector.broadcast %lt3A_780 : i32 to vector<24x256xi32>
    %lt3A_782 = arith.cmpi slt, %broadcast_in_dim3A_748, %lt3A_781 : vector<24x256xi32>
    %select_n3A_783 = arith.select %lt3A_782, %gather3A_762, %gather3A_779 : vector<24x256xi1>, vector<24x256xf32>
    %broadcast_in_dim3A_784 = vector.shape_cast %argmax3A_745 : vector<256xi32> to vector<1x256xi32>
    %get3A_785 = arith.constant 15 : index
    %get3A_786 = arith.constant 0 : index
    %get3A_787 = arith.constant 0 : index
    %get3A_788 = vector.load %arg2[%get3A_785, %get3A_786, %get3A_787] : memref<32x256x24xf32, #tpu.memory_space<vmem>>, vector<1x256x24xf32>
    %get3A_789 = vector.shape_cast %get3A_788 : vector<1x256x24xf32> to vector<256x24xf32>
    %get3A_790 = arith.constant 15 : index
    %get3A_791 = arith.constant 0 : index
    %get3A_792 = arith.constant 0 : index
    %get3A_793 = vector.load %arg3[%get3A_790, %get3A_791, %get3A_792] : memref<32x24x256xf32, #tpu.memory_space<vmem>>, vector<1x24x256xf32>
    %get3A_794 = vector.shape_cast %get3A_793 : vector<1x24x256xf32> to vector<24x256xf32>
    %slice3A_795 = vector.extract_strided_slice %get3A_1 {offsets = [0, 360], sizes = [256, 24], strides = [1, 1]} : vector<256x768xf32> to vector<256x24xf32>
    %dot_general3A_796 = arith.constant dense<0.000000e+00> : vector<256x256xf32>
    %dot_general3A_797 = tpu.matmul %get3A_789, %slice3A_795, %dot_general3A_796 {dimension_numbers = #tpu.dot_dimension_numbers<[1], [1], [0], [0], [0, 0, 1, 0], [], []>, transpose_lhs_hint = false} : vector<256x24xf32>, vector<256x24xf32>, vector<256x256xf32> -> vector<256x256xf32>
    %argmax3A_798 = tpu.reduce_index %dot_general3A_797 {axis = 0 : i32, kind = #tpu.reduction_kind<arg_max>} : vector<256x256xf32> -> vector<256xi32>
    %broadcast_in_dim3A_799 = vector.shape_cast %argmax3A_798 : vector<256xi32> to vector<1x256xi32>
    %broadcast_in_dim3A_800 = vector.shape_cast %broadcast_in_dim3A_799 : vector<1x256xi32> to vector<1x256xi32>
    %broadcast_in_dim3A_801 = vector.broadcast %broadcast_in_dim3A_800 : vector<1x256xi32> to vector<24x256xi32>
    %slice3A_802 = vector.extract_strided_slice %get3A_794 {offsets = [0, 0], sizes = [24, 128], strides = [1, 1]} : vector<24x256xf32> to vector<24x128xf32>
    %min3A_803 = arith.constant 127 : i32
    %min3A_804 = vector.broadcast %min3A_803 : i32 to vector<24x256xi32>
    %min3A_805 = arith.minsi %broadcast_in_dim3A_801, %min3A_804 : vector<24x256xi32>
    %lt3A_806 = arith.constant 0 : i32
    %lt3A_807 = vector.broadcast %lt3A_806 : i32 to vector<24x256xi32>
    %lt3A_808 = arith.cmpi slt, %min3A_805, %lt3A_807 : vector<24x256xi32>
    %add3A_809 = arith.constant 128 : i32
    %add3A_810 = vector.broadcast %add3A_809 : i32 to vector<24x256xi32>
    %add3A_811 = arith.addi %min3A_805, %add3A_810 : vector<24x256xi32>
    %select_n3A_812 = arith.select %lt3A_808, %add3A_811, %min3A_805 : vector<24x256xi1>, vector<24x256xi32>
    %reshape3A_813 = vector.shape_cast %select_n3A_812 : vector<24x256xi32> to vector<24x256x1xi32>
    %gather3A_814 = vector.shape_cast %reshape3A_813 : vector<24x256x1xi32> to vector<24x256xi32>
    %gather3A_815 = tpu.dynamic_gather %slice3A_802[%gather3A_814] in [1] : vector<24x128xf32>, vector<24x256xi32> -> vector<24x256xf32>
    %slice3A_816 = vector.extract_strided_slice %get3A_794 {offsets = [0, 128], sizes = [24, 128], strides = [1, 1]} : vector<24x256xf32> to vector<24x128xf32>
    %sub3A_817 = arith.constant 128 : i32
    %sub3A_818 = vector.broadcast %sub3A_817 : i32 to vector<24x256xi32>
    %sub3A_819 = arith.subi %broadcast_in_dim3A_801, %sub3A_818 : vector<24x256xi32>
    %max3A_820 = arith.constant 0 : i32
    %max3A_821 = vector.broadcast %max3A_820 : i32 to vector<24x256xi32>
    %max3A_822 = arith.maxsi %sub3A_819, %max3A_821 : vector<24x256xi32>
    %lt3A_823 = arith.constant 0 : i32
    %lt3A_824 = vector.broadcast %lt3A_823 : i32 to vector<24x256xi32>
    %lt3A_825 = arith.cmpi slt, %max3A_822, %lt3A_824 : vector<24x256xi32>
    %add3A_826 = arith.constant 128 : i32
    %add3A_827 = vector.broadcast %add3A_826 : i32 to vector<24x256xi32>
    %add3A_828 = arith.addi %max3A_822, %add3A_827 : vector<24x256xi32>
    %select_n3A_829 = arith.select %lt3A_825, %add3A_828, %max3A_822 : vector<24x256xi1>, vector<24x256xi32>
    %reshape3A_830 = vector.shape_cast %select_n3A_829 : vector<24x256xi32> to vector<24x256x1xi32>
    %gather3A_831 = vector.shape_cast %reshape3A_830 : vector<24x256x1xi32> to vector<24x256xi32>
    %gather3A_832 = tpu.dynamic_gather %slice3A_816[%gather3A_831] in [1] : vector<24x128xf32>, vector<24x256xi32> -> vector<24x256xf32>
    %lt3A_833 = arith.constant 128 : i32
    %lt3A_834 = vector.broadcast %lt3A_833 : i32 to vector<24x256xi32>
    %lt3A_835 = arith.cmpi slt, %broadcast_in_dim3A_801, %lt3A_834 : vector<24x256xi32>
    %select_n3A_836 = arith.select %lt3A_835, %gather3A_815, %gather3A_832 : vector<24x256xi1>, vector<24x256xf32>
    %broadcast_in_dim3A_837 = vector.shape_cast %argmax3A_798 : vector<256xi32> to vector<1x256xi32>
    %get3A_838 = arith.constant 16 : index
    %get3A_839 = arith.constant 0 : index
    %get3A_840 = arith.constant 0 : index
    %get3A_841 = vector.load %arg2[%get3A_838, %get3A_839, %get3A_840] : memref<32x256x24xf32, #tpu.memory_space<vmem>>, vector<1x256x24xf32>
    %get3A_842 = vector.shape_cast %get3A_841 : vector<1x256x24xf32> to vector<256x24xf32>
    %get3A_843 = arith.constant 16 : index
    %get3A_844 = arith.constant 0 : index
    %get3A_845 = arith.constant 0 : index
    %get3A_846 = vector.load %arg3[%get3A_843, %get3A_844, %get3A_845] : memref<32x24x256xf32, #tpu.memory_space<vmem>>, vector<1x24x256xf32>
    %get3A_847 = vector.shape_cast %get3A_846 : vector<1x24x256xf32> to vector<24x256xf32>
    %slice3A_848 = vector.extract_strided_slice %get3A_1 {offsets = [0, 384], sizes = [256, 24], strides = [1, 1]} : vector<256x768xf32> to vector<256x24xf32>
    %dot_general3A_849 = arith.constant dense<0.000000e+00> : vector<256x256xf32>
    %dot_general3A_850 = tpu.matmul %get3A_842, %slice3A_848, %dot_general3A_849 {dimension_numbers = #tpu.dot_dimension_numbers<[1], [1], [0], [0], [0, 0, 1, 0], [], []>, transpose_lhs_hint = false} : vector<256x24xf32>, vector<256x24xf32>, vector<256x256xf32> -> vector<256x256xf32>
    %argmax3A_851 = tpu.reduce_index %dot_general3A_850 {axis = 0 : i32, kind = #tpu.reduction_kind<arg_max>} : vector<256x256xf32> -> vector<256xi32>
    %broadcast_in_dim3A_852 = vector.shape_cast %argmax3A_851 : vector<256xi32> to vector<1x256xi32>
    %broadcast_in_dim3A_853 = vector.shape_cast %broadcast_in_dim3A_852 : vector<1x256xi32> to vector<1x256xi32>
    %broadcast_in_dim3A_854 = vector.broadcast %broadcast_in_dim3A_853 : vector<1x256xi32> to vector<24x256xi32>
    %slice3A_855 = vector.extract_strided_slice %get3A_847 {offsets = [0, 0], sizes = [24, 128], strides = [1, 1]} : vector<24x256xf32> to vector<24x128xf32>
    %min3A_856 = arith.constant 127 : i32
    %min3A_857 = vector.broadcast %min3A_856 : i32 to vector<24x256xi32>
    %min3A_858 = arith.minsi %broadcast_in_dim3A_854, %min3A_857 : vector<24x256xi32>
    %lt3A_859 = arith.constant 0 : i32
    %lt3A_860 = vector.broadcast %lt3A_859 : i32 to vector<24x256xi32>
    %lt3A_861 = arith.cmpi slt, %min3A_858, %lt3A_860 : vector<24x256xi32>
    %add3A_862 = arith.constant 128 : i32
    %add3A_863 = vector.broadcast %add3A_862 : i32 to vector<24x256xi32>
    %add3A_864 = arith.addi %min3A_858, %add3A_863 : vector<24x256xi32>
    %select_n3A_865 = arith.select %lt3A_861, %add3A_864, %min3A_858 : vector<24x256xi1>, vector<24x256xi32>
    %reshape3A_866 = vector.shape_cast %select_n3A_865 : vector<24x256xi32> to vector<24x256x1xi32>
    %gather3A_867 = vector.shape_cast %reshape3A_866 : vector<24x256x1xi32> to vector<24x256xi32>
    %gather3A_868 = tpu.dynamic_gather %slice3A_855[%gather3A_867] in [1] : vector<24x128xf32>, vector<24x256xi32> -> vector<24x256xf32>
    %slice3A_869 = vector.extract_strided_slice %get3A_847 {offsets = [0, 128], sizes = [24, 128], strides = [1, 1]} : vector<24x256xf32> to vector<24x128xf32>
    %sub3A_870 = arith.constant 128 : i32
    %sub3A_871 = vector.broadcast %sub3A_870 : i32 to vector<24x256xi32>
    %sub3A_872 = arith.subi %broadcast_in_dim3A_854, %sub3A_871 : vector<24x256xi32>
    %max3A_873 = arith.constant 0 : i32
    %max3A_874 = vector.broadcast %max3A_873 : i32 to vector<24x256xi32>
    %max3A_875 = arith.maxsi %sub3A_872, %max3A_874 : vector<24x256xi32>
    %lt3A_876 = arith.constant 0 : i32
    %lt3A_877 = vector.broadcast %lt3A_876 : i32 to vector<24x256xi32>
    %lt3A_878 = arith.cmpi slt, %max3A_875, %lt3A_877 : vector<24x256xi32>
    %add3A_879 = arith.constant 128 : i32
    %add3A_880 = vector.broadcast %add3A_879 : i32 to vector<24x256xi32>
    %add3A_881 = arith.addi %max3A_875, %add3A_880 : vector<24x256xi32>
    %select_n3A_882 = arith.select %lt3A_878, %add3A_881, %max3A_875 : vector<24x256xi1>, vector<24x256xi32>
    %reshape3A_883 = vector.shape_cast %select_n3A_882 : vector<24x256xi32> to vector<24x256x1xi32>
    %gather3A_884 = vector.shape_cast %reshape3A_883 : vector<24x256x1xi32> to vector<24x256xi32>
    %gather3A_885 = tpu.dynamic_gather %slice3A_869[%gather3A_884] in [1] : vector<24x128xf32>, vector<24x256xi32> -> vector<24x256xf32>
    %lt3A_886 = arith.constant 128 : i32
    %lt3A_887 = vector.broadcast %lt3A_886 : i32 to vector<24x256xi32>
    %lt3A_888 = arith.cmpi slt, %broadcast_in_dim3A_854, %lt3A_887 : vector<24x256xi32>
    %select_n3A_889 = arith.select %lt3A_888, %gather3A_868, %gather3A_885 : vector<24x256xi1>, vector<24x256xf32>
    %broadcast_in_dim3A_890 = vector.shape_cast %argmax3A_851 : vector<256xi32> to vector<1x256xi32>
    %get3A_891 = arith.constant 17 : index
    %get3A_892 = arith.constant 0 : index
    %get3A_893 = arith.constant 0 : index
    %get3A_894 = vector.load %arg2[%get3A_891, %get3A_892, %get3A_893] : memref<32x256x24xf32, #tpu.memory_space<vmem>>, vector<1x256x24xf32>
    %get3A_895 = vector.shape_cast %get3A_894 : vector<1x256x24xf32> to vector<256x24xf32>
    %get3A_896 = arith.constant 17 : index
    %get3A_897 = arith.constant 0 : index
    %get3A_898 = arith.constant 0 : index
    %get3A_899 = vector.load %arg3[%get3A_896, %get3A_897, %get3A_898] : memref<32x24x256xf32, #tpu.memory_space<vmem>>, vector<1x24x256xf32>
    %get3A_900 = vector.shape_cast %get3A_899 : vector<1x24x256xf32> to vector<24x256xf32>
    %slice3A_901 = vector.extract_strided_slice %get3A_1 {offsets = [0, 408], sizes = [256, 24], strides = [1, 1]} : vector<256x768xf32> to vector<256x24xf32>
    %dot_general3A_902 = arith.constant dense<0.000000e+00> : vector<256x256xf32>
    %dot_general3A_903 = tpu.matmul %get3A_895, %slice3A_901, %dot_general3A_902 {dimension_numbers = #tpu.dot_dimension_numbers<[1], [1], [0], [0], [0, 0, 1, 0], [], []>, transpose_lhs_hint = false} : vector<256x24xf32>, vector<256x24xf32>, vector<256x256xf32> -> vector<256x256xf32>
    %argmax3A_904 = tpu.reduce_index %dot_general3A_903 {axis = 0 : i32, kind = #tpu.reduction_kind<arg_max>} : vector<256x256xf32> -> vector<256xi32>
    %broadcast_in_dim3A_905 = vector.shape_cast %argmax3A_904 : vector<256xi32> to vector<1x256xi32>
    %broadcast_in_dim3A_906 = vector.shape_cast %broadcast_in_dim3A_905 : vector<1x256xi32> to vector<1x256xi32>
    %broadcast_in_dim3A_907 = vector.broadcast %broadcast_in_dim3A_906 : vector<1x256xi32> to vector<24x256xi32>
    %slice3A_908 = vector.extract_strided_slice %get3A_900 {offsets = [0, 0], sizes = [24, 128], strides = [1, 1]} : vector<24x256xf32> to vector<24x128xf32>
    %min3A_909 = arith.constant 127 : i32
    %min3A_910 = vector.broadcast %min3A_909 : i32 to vector<24x256xi32>
    %min3A_911 = arith.minsi %broadcast_in_dim3A_907, %min3A_910 : vector<24x256xi32>
    %lt3A_912 = arith.constant 0 : i32
    %lt3A_913 = vector.broadcast %lt3A_912 : i32 to vector<24x256xi32>
    %lt3A_914 = arith.cmpi slt, %min3A_911, %lt3A_913 : vector<24x256xi32>
    %add3A_915 = arith.constant 128 : i32
    %add3A_916 = vector.broadcast %add3A_915 : i32 to vector<24x256xi32>
    %add3A_917 = arith.addi %min3A_911, %add3A_916 : vector<24x256xi32>
    %select_n3A_918 = arith.select %lt3A_914, %add3A_917, %min3A_911 : vector<24x256xi1>, vector<24x256xi32>
    %reshape3A_919 = vector.shape_cast %select_n3A_918 : vector<24x256xi32> to vector<24x256x1xi32>
    %gather3A_920 = vector.shape_cast %reshape3A_919 : vector<24x256x1xi32> to vector<24x256xi32>
    %gather3A_921 = tpu.dynamic_gather %slice3A_908[%gather3A_920] in [1] : vector<24x128xf32>, vector<24x256xi32> -> vector<24x256xf32>
    %slice3A_922 = vector.extract_strided_slice %get3A_900 {offsets = [0, 128], sizes = [24, 128], strides = [1, 1]} : vector<24x256xf32> to vector<24x128xf32>
    %sub3A_923 = arith.constant 128 : i32
    %sub3A_924 = vector.broadcast %sub3A_923 : i32 to vector<24x256xi32>
    %sub3A_925 = arith.subi %broadcast_in_dim3A_907, %sub3A_924 : vector<24x256xi32>
    %max3A_926 = arith.constant 0 : i32
    %max3A_927 = vector.broadcast %max3A_926 : i32 to vector<24x256xi32>
    %max3A_928 = arith.maxsi %sub3A_925, %max3A_927 : vector<24x256xi32>
    %lt3A_929 = arith.constant 0 : i32
    %lt3A_930 = vector.broadcast %lt3A_929 : i32 to vector<24x256xi32>
    %lt3A_931 = arith.cmpi slt, %max3A_928, %lt3A_930 : vector<24x256xi32>
    %add3A_932 = arith.constant 128 : i32
    %add3A_933 = vector.broadcast %add3A_932 : i32 to vector<24x256xi32>
    %add3A_934 = arith.addi %max3A_928, %add3A_933 : vector<24x256xi32>
    %select_n3A_935 = arith.select %lt3A_931, %add3A_934, %max3A_928 : vector<24x256xi1>, vector<24x256xi32>
    %reshape3A_936 = vector.shape_cast %select_n3A_935 : vector<24x256xi32> to vector<24x256x1xi32>
    %gather3A_937 = vector.shape_cast %reshape3A_936 : vector<24x256x1xi32> to vector<24x256xi32>
    %gather3A_938 = tpu.dynamic_gather %slice3A_922[%gather3A_937] in [1] : vector<24x128xf32>, vector<24x256xi32> -> vector<24x256xf32>
    %lt3A_939 = arith.constant 128 : i32
    %lt3A_940 = vector.broadcast %lt3A_939 : i32 to vector<24x256xi32>
    %lt3A_941 = arith.cmpi slt, %broadcast_in_dim3A_907, %lt3A_940 : vector<24x256xi32>
    %select_n3A_942 = arith.select %lt3A_941, %gather3A_921, %gather3A_938 : vector<24x256xi1>, vector<24x256xf32>
    %broadcast_in_dim3A_943 = vector.shape_cast %argmax3A_904 : vector<256xi32> to vector<1x256xi32>
    %get3A_944 = arith.constant 18 : index
    %get3A_945 = arith.constant 0 : index
    %get3A_946 = arith.constant 0 : index
    %get3A_947 = vector.load %arg2[%get3A_944, %get3A_945, %get3A_946] : memref<32x256x24xf32, #tpu.memory_space<vmem>>, vector<1x256x24xf32>
    %get3A_948 = vector.shape_cast %get3A_947 : vector<1x256x24xf32> to vector<256x24xf32>
    %get3A_949 = arith.constant 18 : index
    %get3A_950 = arith.constant 0 : index
    %get3A_951 = arith.constant 0 : index
    %get3A_952 = vector.load %arg3[%get3A_949, %get3A_950, %get3A_951] : memref<32x24x256xf32, #tpu.memory_space<vmem>>, vector<1x24x256xf32>
    %get3A_953 = vector.shape_cast %get3A_952 : vector<1x24x256xf32> to vector<24x256xf32>
    %slice3A_954 = vector.extract_strided_slice %get3A_1 {offsets = [0, 432], sizes = [256, 24], strides = [1, 1]} : vector<256x768xf32> to vector<256x24xf32>
    %dot_general3A_955 = arith.constant dense<0.000000e+00> : vector<256x256xf32>
    %dot_general3A_956 = tpu.matmul %get3A_948, %slice3A_954, %dot_general3A_955 {dimension_numbers = #tpu.dot_dimension_numbers<[1], [1], [0], [0], [0, 0, 1, 0], [], []>, transpose_lhs_hint = false} : vector<256x24xf32>, vector<256x24xf32>, vector<256x256xf32> -> vector<256x256xf32>
    %argmax3A_957 = tpu.reduce_index %dot_general3A_956 {axis = 0 : i32, kind = #tpu.reduction_kind<arg_max>} : vector<256x256xf32> -> vector<256xi32>
    %broadcast_in_dim3A_958 = vector.shape_cast %argmax3A_957 : vector<256xi32> to vector<1x256xi32>
    %broadcast_in_dim3A_959 = vector.shape_cast %broadcast_in_dim3A_958 : vector<1x256xi32> to vector<1x256xi32>
    %broadcast_in_dim3A_960 = vector.broadcast %broadcast_in_dim3A_959 : vector<1x256xi32> to vector<24x256xi32>
    %slice3A_961 = vector.extract_strided_slice %get3A_953 {offsets = [0, 0], sizes = [24, 128], strides = [1, 1]} : vector<24x256xf32> to vector<24x128xf32>
    %min3A_962 = arith.constant 127 : i32
    %min3A_963 = vector.broadcast %min3A_962 : i32 to vector<24x256xi32>
    %min3A_964 = arith.minsi %broadcast_in_dim3A_960, %min3A_963 : vector<24x256xi32>
    %lt3A_965 = arith.constant 0 : i32
    %lt3A_966 = vector.broadcast %lt3A_965 : i32 to vector<24x256xi32>
    %lt3A_967 = arith.cmpi slt, %min3A_964, %lt3A_966 : vector<24x256xi32>
    %add3A_968 = arith.constant 128 : i32
    %add3A_969 = vector.broadcast %add3A_968 : i32 to vector<24x256xi32>
    %add3A_970 = arith.addi %min3A_964, %add3A_969 : vector<24x256xi32>
    %select_n3A_971 = arith.select %lt3A_967, %add3A_970, %min3A_964 : vector<24x256xi1>, vector<24x256xi32>
    %reshape3A_972 = vector.shape_cast %select_n3A_971 : vector<24x256xi32> to vector<24x256x1xi32>
    %gather3A_973 = vector.shape_cast %reshape3A_972 : vector<24x256x1xi32> to vector<24x256xi32>
    %gather3A_974 = tpu.dynamic_gather %slice3A_961[%gather3A_973] in [1] : vector<24x128xf32>, vector<24x256xi32> -> vector<24x256xf32>
    %slice3A_975 = vector.extract_strided_slice %get3A_953 {offsets = [0, 128], sizes = [24, 128], strides = [1, 1]} : vector<24x256xf32> to vector<24x128xf32>
    %sub3A_976 = arith.constant 128 : i32
    %sub3A_977 = vector.broadcast %sub3A_976 : i32 to vector<24x256xi32>
    %sub3A_978 = arith.subi %broadcast_in_dim3A_960, %sub3A_977 : vector<24x256xi32>
    %max3A_979 = arith.constant 0 : i32
    %max3A_980 = vector.broadcast %max3A_979 : i32 to vector<24x256xi32>
    %max3A_981 = arith.maxsi %sub3A_978, %max3A_980 : vector<24x256xi32>
    %lt3A_982 = arith.constant 0 : i32
    %lt3A_983 = vector.broadcast %lt3A_982 : i32 to vector<24x256xi32>
    %lt3A_984 = arith.cmpi slt, %max3A_981, %lt3A_983 : vector<24x256xi32>
    %add3A_985 = arith.constant 128 : i32
    %add3A_986 = vector.broadcast %add3A_985 : i32 to vector<24x256xi32>
    %add3A_987 = arith.addi %max3A_981, %add3A_986 : vector<24x256xi32>
    %select_n3A_988 = arith.select %lt3A_984, %add3A_987, %max3A_981 : vector<24x256xi1>, vector<24x256xi32>
    %reshape3A_989 = vector.shape_cast %select_n3A_988 : vector<24x256xi32> to vector<24x256x1xi32>
    %gather3A_990 = vector.shape_cast %reshape3A_989 : vector<24x256x1xi32> to vector<24x256xi32>
    %gather3A_991 = tpu.dynamic_gather %slice3A_975[%gather3A_990] in [1] : vector<24x128xf32>, vector<24x256xi32> -> vector<24x256xf32>
    %lt3A_992 = arith.constant 128 : i32
    %lt3A_993 = vector.broadcast %lt3A_992 : i32 to vector<24x256xi32>
    %lt3A_994 = arith.cmpi slt, %broadcast_in_dim3A_960, %lt3A_993 : vector<24x256xi32>
    %select_n3A_995 = arith.select %lt3A_994, %gather3A_974, %gather3A_991 : vector<24x256xi1>, vector<24x256xf32>
    %broadcast_in_dim3A_996 = vector.shape_cast %argmax3A_957 : vector<256xi32> to vector<1x256xi32>
    %get3A_997 = arith.constant 19 : index
    %get3A_998 = arith.constant 0 : index
    %get3A_999 = arith.constant 0 : index
    %get3A_1000 = vector.load %arg2[%get3A_997, %get3A_998, %get3A_999] : memref<32x256x24xf32, #tpu.memory_space<vmem>>, vector<1x256x24xf32>
    %get3A_1001 = vector.shape_cast %get3A_1000 : vector<1x256x24xf32> to vector<256x24xf32>
    %get3A_1002 = arith.constant 19 : index
    %get3A_1003 = arith.constant 0 : index
    %get3A_1004 = arith.constant 0 : index
    %get3A_1005 = vector.load %arg3[%get3A_1002, %get3A_1003, %get3A_1004] : memref<32x24x256xf32, #tpu.memory_space<vmem>>, vector<1x24x256xf32>
    %get3A_1006 = vector.shape_cast %get3A_1005 : vector<1x24x256xf32> to vector<24x256xf32>
    %slice3A_1007 = vector.extract_strided_slice %get3A_1 {offsets = [0, 456], sizes = [256, 24], strides = [1, 1]} : vector<256x768xf32> to vector<256x24xf32>
    %dot_general3A_1008 = arith.constant dense<0.000000e+00> : vector<256x256xf32>
    %dot_general3A_1009 = tpu.matmul %get3A_1001, %slice3A_1007, %dot_general3A_1008 {dimension_numbers = #tpu.dot_dimension_numbers<[1], [1], [0], [0], [0, 0, 1, 0], [], []>, transpose_lhs_hint = false} : vector<256x24xf32>, vector<256x24xf32>, vector<256x256xf32> -> vector<256x256xf32>
    %argmax3A_1010 = tpu.reduce_index %dot_general3A_1009 {axis = 0 : i32, kind = #tpu.reduction_kind<arg_max>} : vector<256x256xf32> -> vector<256xi32>
    %broadcast_in_dim3A_1011 = vector.shape_cast %argmax3A_1010 : vector<256xi32> to vector<1x256xi32>
    %broadcast_in_dim3A_1012 = vector.shape_cast %broadcast_in_dim3A_1011 : vector<1x256xi32> to vector<1x256xi32>
    %broadcast_in_dim3A_1013 = vector.broadcast %broadcast_in_dim3A_1012 : vector<1x256xi32> to vector<24x256xi32>
    %slice3A_1014 = vector.extract_strided_slice %get3A_1006 {offsets = [0, 0], sizes = [24, 128], strides = [1, 1]} : vector<24x256xf32> to vector<24x128xf32>
    %min3A_1015 = arith.constant 127 : i32
    %min3A_1016 = vector.broadcast %min3A_1015 : i32 to vector<24x256xi32>
    %min3A_1017 = arith.minsi %broadcast_in_dim3A_1013, %min3A_1016 : vector<24x256xi32>
    %lt3A_1018 = arith.constant 0 : i32
    %lt3A_1019 = vector.broadcast %lt3A_1018 : i32 to vector<24x256xi32>
    %lt3A_1020 = arith.cmpi slt, %min3A_1017, %lt3A_1019 : vector<24x256xi32>
    %add3A_1021 = arith.constant 128 : i32
    %add3A_1022 = vector.broadcast %add3A_1021 : i32 to vector<24x256xi32>
    %add3A_1023 = arith.addi %min3A_1017, %add3A_1022 : vector<24x256xi32>
    %select_n3A_1024 = arith.select %lt3A_1020, %add3A_1023, %min3A_1017 : vector<24x256xi1>, vector<24x256xi32>
    %reshape3A_1025 = vector.shape_cast %select_n3A_1024 : vector<24x256xi32> to vector<24x256x1xi32>
    %gather3A_1026 = vector.shape_cast %reshape3A_1025 : vector<24x256x1xi32> to vector<24x256xi32>
    %gather3A_1027 = tpu.dynamic_gather %slice3A_1014[%gather3A_1026] in [1] : vector<24x128xf32>, vector<24x256xi32> -> vector<24x256xf32>
    %slice3A_1028 = vector.extract_strided_slice %get3A_1006 {offsets = [0, 128], sizes = [24, 128], strides = [1, 1]} : vector<24x256xf32> to vector<24x128xf32>
    %sub3A_1029 = arith.constant 128 : i32
    %sub3A_1030 = vector.broadcast %sub3A_1029 : i32 to vector<24x256xi32>
    %sub3A_1031 = arith.subi %broadcast_in_dim3A_1013, %sub3A_1030 : vector<24x256xi32>
    %max3A_1032 = arith.constant 0 : i32
    %max3A_1033 = vector.broadcast %max3A_1032 : i32 to vector<24x256xi32>
    %max3A_1034 = arith.maxsi %sub3A_1031, %max3A_1033 : vector<24x256xi32>
    %lt3A_1035 = arith.constant 0 : i32
    %lt3A_1036 = vector.broadcast %lt3A_1035 : i32 to vector<24x256xi32>
    %lt3A_1037 = arith.cmpi slt, %max3A_1034, %lt3A_1036 : vector<24x256xi32>
    %add3A_1038 = arith.constant 128 : i32
    %add3A_1039 = vector.broadcast %add3A_1038 : i32 to vector<24x256xi32>
    %add3A_1040 = arith.addi %max3A_1034, %add3A_1039 : vector<24x256xi32>
    %select_n3A_1041 = arith.select %lt3A_1037, %add3A_1040, %max3A_1034 : vector<24x256xi1>, vector<24x256xi32>
    %reshape3A_1042 = vector.shape_cast %select_n3A_1041 : vector<24x256xi32> to vector<24x256x1xi32>
    %gather3A_1043 = vector.shape_cast %reshape3A_1042 : vector<24x256x1xi32> to vector<24x256xi32>
    %gather3A_1044 = tpu.dynamic_gather %slice3A_1028[%gather3A_1043] in [1] : vector<24x128xf32>, vector<24x256xi32> -> vector<24x256xf32>
    %lt3A_1045 = arith.constant 128 : i32
    %lt3A_1046 = vector.broadcast %lt3A_1045 : i32 to vector<24x256xi32>
    %lt3A_1047 = arith.cmpi slt, %broadcast_in_dim3A_1013, %lt3A_1046 : vector<24x256xi32>
    %select_n3A_1048 = arith.select %lt3A_1047, %gather3A_1027, %gather3A_1044 : vector<24x256xi1>, vector<24x256xf32>
    %broadcast_in_dim3A_1049 = vector.shape_cast %argmax3A_1010 : vector<256xi32> to vector<1x256xi32>
    %get3A_1050 = arith.constant 20 : index
    %get3A_1051 = arith.constant 0 : index
    %get3A_1052 = arith.constant 0 : index
    %get3A_1053 = vector.load %arg2[%get3A_1050, %get3A_1051, %get3A_1052] : memref<32x256x24xf32, #tpu.memory_space<vmem>>, vector<1x256x24xf32>
    %get3A_1054 = vector.shape_cast %get3A_1053 : vector<1x256x24xf32> to vector<256x24xf32>
    %get3A_1055 = arith.constant 20 : index
    %get3A_1056 = arith.constant 0 : index
    %get3A_1057 = arith.constant 0 : index
    %get3A_1058 = vector.load %arg3[%get3A_1055, %get3A_1056, %get3A_1057] : memref<32x24x256xf32, #tpu.memory_space<vmem>>, vector<1x24x256xf32>
    %get3A_1059 = vector.shape_cast %get3A_1058 : vector<1x24x256xf32> to vector<24x256xf32>
    %slice3A_1060 = vector.extract_strided_slice %get3A_1 {offsets = [0, 480], sizes = [256, 24], strides = [1, 1]} : vector<256x768xf32> to vector<256x24xf32>
    %dot_general3A_1061 = arith.constant dense<0.000000e+00> : vector<256x256xf32>
    %dot_general3A_1062 = tpu.matmul %get3A_1054, %slice3A_1060, %dot_general3A_1061 {dimension_numbers = #tpu.dot_dimension_numbers<[1], [1], [0], [0], [0, 0, 1, 0], [], []>, transpose_lhs_hint = false} : vector<256x24xf32>, vector<256x24xf32>, vector<256x256xf32> -> vector<256x256xf32>
    %argmax3A_1063 = tpu.reduce_index %dot_general3A_1062 {axis = 0 : i32, kind = #tpu.reduction_kind<arg_max>} : vector<256x256xf32> -> vector<256xi32>
    %broadcast_in_dim3A_1064 = vector.shape_cast %argmax3A_1063 : vector<256xi32> to vector<1x256xi32>
    %broadcast_in_dim3A_1065 = vector.shape_cast %broadcast_in_dim3A_1064 : vector<1x256xi32> to vector<1x256xi32>
    %broadcast_in_dim3A_1066 = vector.broadcast %broadcast_in_dim3A_1065 : vector<1x256xi32> to vector<24x256xi32>
    %slice3A_1067 = vector.extract_strided_slice %get3A_1059 {offsets = [0, 0], sizes = [24, 128], strides = [1, 1]} : vector<24x256xf32> to vector<24x128xf32>
    %min3A_1068 = arith.constant 127 : i32
    %min3A_1069 = vector.broadcast %min3A_1068 : i32 to vector<24x256xi32>
    %min3A_1070 = arith.minsi %broadcast_in_dim3A_1066, %min3A_1069 : vector<24x256xi32>
    %lt3A_1071 = arith.constant 0 : i32
    %lt3A_1072 = vector.broadcast %lt3A_1071 : i32 to vector<24x256xi32>
    %lt3A_1073 = arith.cmpi slt, %min3A_1070, %lt3A_1072 : vector<24x256xi32>
    %add3A_1074 = arith.constant 128 : i32
    %add3A_1075 = vector.broadcast %add3A_1074 : i32 to vector<24x256xi32>
    %add3A_1076 = arith.addi %min3A_1070, %add3A_1075 : vector<24x256xi32>
    %select_n3A_1077 = arith.select %lt3A_1073, %add3A_1076, %min3A_1070 : vector<24x256xi1>, vector<24x256xi32>
    %reshape3A_1078 = vector.shape_cast %select_n3A_1077 : vector<24x256xi32> to vector<24x256x1xi32>
    %gather3A_1079 = vector.shape_cast %reshape3A_1078 : vector<24x256x1xi32> to vector<24x256xi32>
    %gather3A_1080 = tpu.dynamic_gather %slice3A_1067[%gather3A_1079] in [1] : vector<24x128xf32>, vector<24x256xi32> -> vector<24x256xf32>
    %slice3A_1081 = vector.extract_strided_slice %get3A_1059 {offsets = [0, 128], sizes = [24, 128], strides = [1, 1]} : vector<24x256xf32> to vector<24x128xf32>
    %sub3A_1082 = arith.constant 128 : i32
    %sub3A_1083 = vector.broadcast %sub3A_1082 : i32 to vector<24x256xi32>
    %sub3A_1084 = arith.subi %broadcast_in_dim3A_1066, %sub3A_1083 : vector<24x256xi32>
    %max3A_1085 = arith.constant 0 : i32
    %max3A_1086 = vector.broadcast %max3A_1085 : i32 to vector<24x256xi32>
    %max3A_1087 = arith.maxsi %sub3A_1084, %max3A_1086 : vector<24x256xi32>
    %lt3A_1088 = arith.constant 0 : i32
    %lt3A_1089 = vector.broadcast %lt3A_1088 : i32 to vector<24x256xi32>
    %lt3A_1090 = arith.cmpi slt, %max3A_1087, %lt3A_1089 : vector<24x256xi32>
    %add3A_1091 = arith.constant 128 : i32
    %add3A_1092 = vector.broadcast %add3A_1091 : i32 to vector<24x256xi32>
    %add3A_1093 = arith.addi %max3A_1087, %add3A_1092 : vector<24x256xi32>
    %select_n3A_1094 = arith.select %lt3A_1090, %add3A_1093, %max3A_1087 : vector<24x256xi1>, vector<24x256xi32>
    %reshape3A_1095 = vector.shape_cast %select_n3A_1094 : vector<24x256xi32> to vector<24x256x1xi32>
    %gather3A_1096 = vector.shape_cast %reshape3A_1095 : vector<24x256x1xi32> to vector<24x256xi32>
    %gather3A_1097 = tpu.dynamic_gather %slice3A_1081[%gather3A_1096] in [1] : vector<24x128xf32>, vector<24x256xi32> -> vector<24x256xf32>
    %lt3A_1098 = arith.constant 128 : i32
    %lt3A_1099 = vector.broadcast %lt3A_1098 : i32 to vector<24x256xi32>
    %lt3A_1100 = arith.cmpi slt, %broadcast_in_dim3A_1066, %lt3A_1099 : vector<24x256xi32>
    %select_n3A_1101 = arith.select %lt3A_1100, %gather3A_1080, %gather3A_1097 : vector<24x256xi1>, vector<24x256xf32>
    %broadcast_in_dim3A_1102 = vector.shape_cast %argmax3A_1063 : vector<256xi32> to vector<1x256xi32>
    %get3A_1103 = arith.constant 21 : index
    %get3A_1104 = arith.constant 0 : index
    %get3A_1105 = arith.constant 0 : index
    %get3A_1106 = vector.load %arg2[%get3A_1103, %get3A_1104, %get3A_1105] : memref<32x256x24xf32, #tpu.memory_space<vmem>>, vector<1x256x24xf32>
    %get3A_1107 = vector.shape_cast %get3A_1106 : vector<1x256x24xf32> to vector<256x24xf32>
    %get3A_1108 = arith.constant 21 : index
    %get3A_1109 = arith.constant 0 : index
    %get3A_1110 = arith.constant 0 : index
    %get3A_1111 = vector.load %arg3[%get3A_1108, %get3A_1109, %get3A_1110] : memref<32x24x256xf32, #tpu.memory_space<vmem>>, vector<1x24x256xf32>
    %get3A_1112 = vector.shape_cast %get3A_1111 : vector<1x24x256xf32> to vector<24x256xf32>
    %slice3A_1113 = vector.extract_strided_slice %get3A_1 {offsets = [0, 504], sizes = [256, 24], strides = [1, 1]} : vector<256x768xf32> to vector<256x24xf32>
    %dot_general3A_1114 = arith.constant dense<0.000000e+00> : vector<256x256xf32>
    %dot_general3A_1115 = tpu.matmul %get3A_1107, %slice3A_1113, %dot_general3A_1114 {dimension_numbers = #tpu.dot_dimension_numbers<[1], [1], [0], [0], [0, 0, 1, 0], [], []>, transpose_lhs_hint = false} : vector<256x24xf32>, vector<256x24xf32>, vector<256x256xf32> -> vector<256x256xf32>
    %argmax3A_1116 = tpu.reduce_index %dot_general3A_1115 {axis = 0 : i32, kind = #tpu.reduction_kind<arg_max>} : vector<256x256xf32> -> vector<256xi32>
    %broadcast_in_dim3A_1117 = vector.shape_cast %argmax3A_1116 : vector<256xi32> to vector<1x256xi32>
    %broadcast_in_dim3A_1118 = vector.shape_cast %broadcast_in_dim3A_1117 : vector<1x256xi32> to vector<1x256xi32>
    %broadcast_in_dim3A_1119 = vector.broadcast %broadcast_in_dim3A_1118 : vector<1x256xi32> to vector<24x256xi32>
    %slice3A_1120 = vector.extract_strided_slice %get3A_1112 {offsets = [0, 0], sizes = [24, 128], strides = [1, 1]} : vector<24x256xf32> to vector<24x128xf32>
    %min3A_1121 = arith.constant 127 : i32
    %min3A_1122 = vector.broadcast %min3A_1121 : i32 to vector<24x256xi32>
    %min3A_1123 = arith.minsi %broadcast_in_dim3A_1119, %min3A_1122 : vector<24x256xi32>
    %lt3A_1124 = arith.constant 0 : i32
    %lt3A_1125 = vector.broadcast %lt3A_1124 : i32 to vector<24x256xi32>
    %lt3A_1126 = arith.cmpi slt, %min3A_1123, %lt3A_1125 : vector<24x256xi32>
    %add3A_1127 = arith.constant 128 : i32
    %add3A_1128 = vector.broadcast %add3A_1127 : i32 to vector<24x256xi32>
    %add3A_1129 = arith.addi %min3A_1123, %add3A_1128 : vector<24x256xi32>
    %select_n3A_1130 = arith.select %lt3A_1126, %add3A_1129, %min3A_1123 : vector<24x256xi1>, vector<24x256xi32>
    %reshape3A_1131 = vector.shape_cast %select_n3A_1130 : vector<24x256xi32> to vector<24x256x1xi32>
    %gather3A_1132 = vector.shape_cast %reshape3A_1131 : vector<24x256x1xi32> to vector<24x256xi32>
    %gather3A_1133 = tpu.dynamic_gather %slice3A_1120[%gather3A_1132] in [1] : vector<24x128xf32>, vector<24x256xi32> -> vector<24x256xf32>
    %slice3A_1134 = vector.extract_strided_slice %get3A_1112 {offsets = [0, 128], sizes = [24, 128], strides = [1, 1]} : vector<24x256xf32> to vector<24x128xf32>
    %sub3A_1135 = arith.constant 128 : i32
    %sub3A_1136 = vector.broadcast %sub3A_1135 : i32 to vector<24x256xi32>
    %sub3A_1137 = arith.subi %broadcast_in_dim3A_1119, %sub3A_1136 : vector<24x256xi32>
    %max3A_1138 = arith.constant 0 : i32
    %max3A_1139 = vector.broadcast %max3A_1138 : i32 to vector<24x256xi32>
    %max3A_1140 = arith.maxsi %sub3A_1137, %max3A_1139 : vector<24x256xi32>
    %lt3A_1141 = arith.constant 0 : i32
    %lt3A_1142 = vector.broadcast %lt3A_1141 : i32 to vector<24x256xi32>
    %lt3A_1143 = arith.cmpi slt, %max3A_1140, %lt3A_1142 : vector<24x256xi32>
    %add3A_1144 = arith.constant 128 : i32
    %add3A_1145 = vector.broadcast %add3A_1144 : i32 to vector<24x256xi32>
    %add3A_1146 = arith.addi %max3A_1140, %add3A_1145 : vector<24x256xi32>
    %select_n3A_1147 = arith.select %lt3A_1143, %add3A_1146, %max3A_1140 : vector<24x256xi1>, vector<24x256xi32>
    %reshape3A_1148 = vector.shape_cast %select_n3A_1147 : vector<24x256xi32> to vector<24x256x1xi32>
    %gather3A_1149 = vector.shape_cast %reshape3A_1148 : vector<24x256x1xi32> to vector<24x256xi32>
    %gather3A_1150 = tpu.dynamic_gather %slice3A_1134[%gather3A_1149] in [1] : vector<24x128xf32>, vector<24x256xi32> -> vector<24x256xf32>
    %lt3A_1151 = arith.constant 128 : i32
    %lt3A_1152 = vector.broadcast %lt3A_1151 : i32 to vector<24x256xi32>
    %lt3A_1153 = arith.cmpi slt, %broadcast_in_dim3A_1119, %lt3A_1152 : vector<24x256xi32>
    %select_n3A_1154 = arith.select %lt3A_1153, %gather3A_1133, %gather3A_1150 : vector<24x256xi1>, vector<24x256xf32>
    %broadcast_in_dim3A_1155 = vector.shape_cast %argmax3A_1116 : vector<256xi32> to vector<1x256xi32>
    %get3A_1156 = arith.constant 22 : index
    %get3A_1157 = arith.constant 0 : index
    %get3A_1158 = arith.constant 0 : index
    %get3A_1159 = vector.load %arg2[%get3A_1156, %get3A_1157, %get3A_1158] : memref<32x256x24xf32, #tpu.memory_space<vmem>>, vector<1x256x24xf32>
    %get3A_1160 = vector.shape_cast %get3A_1159 : vector<1x256x24xf32> to vector<256x24xf32>
    %get3A_1161 = arith.constant 22 : index
    %get3A_1162 = arith.constant 0 : index
    %get3A_1163 = arith.constant 0 : index
    %get3A_1164 = vector.load %arg3[%get3A_1161, %get3A_1162, %get3A_1163] : memref<32x24x256xf32, #tpu.memory_space<vmem>>, vector<1x24x256xf32>
    %get3A_1165 = vector.shape_cast %get3A_1164 : vector<1x24x256xf32> to vector<24x256xf32>
    %slice3A_1166 = vector.extract_strided_slice %get3A_1 {offsets = [0, 528], sizes = [256, 24], strides = [1, 1]} : vector<256x768xf32> to vector<256x24xf32>
    %dot_general3A_1167 = arith.constant dense<0.000000e+00> : vector<256x256xf32>
    %dot_general3A_1168 = tpu.matmul %get3A_1160, %slice3A_1166, %dot_general3A_1167 {dimension_numbers = #tpu.dot_dimension_numbers<[1], [1], [0], [0], [0, 0, 1, 0], [], []>, transpose_lhs_hint = false} : vector<256x24xf32>, vector<256x24xf32>, vector<256x256xf32> -> vector<256x256xf32>
    %argmax3A_1169 = tpu.reduce_index %dot_general3A_1168 {axis = 0 : i32, kind = #tpu.reduction_kind<arg_max>} : vector<256x256xf32> -> vector<256xi32>
    %broadcast_in_dim3A_1170 = vector.shape_cast %argmax3A_1169 : vector<256xi32> to vector<1x256xi32>
    %broadcast_in_dim3A_1171 = vector.shape_cast %broadcast_in_dim3A_1170 : vector<1x256xi32> to vector<1x256xi32>
    %broadcast_in_dim3A_1172 = vector.broadcast %broadcast_in_dim3A_1171 : vector<1x256xi32> to vector<24x256xi32>
    %slice3A_1173 = vector.extract_strided_slice %get3A_1165 {offsets = [0, 0], sizes = [24, 128], strides = [1, 1]} : vector<24x256xf32> to vector<24x128xf32>
    %min3A_1174 = arith.constant 127 : i32
    %min3A_1175 = vector.broadcast %min3A_1174 : i32 to vector<24x256xi32>
    %min3A_1176 = arith.minsi %broadcast_in_dim3A_1172, %min3A_1175 : vector<24x256xi32>
    %lt3A_1177 = arith.constant 0 : i32
    %lt3A_1178 = vector.broadcast %lt3A_1177 : i32 to vector<24x256xi32>
    %lt3A_1179 = arith.cmpi slt, %min3A_1176, %lt3A_1178 : vector<24x256xi32>
    %add3A_1180 = arith.constant 128 : i32
    %add3A_1181 = vector.broadcast %add3A_1180 : i32 to vector<24x256xi32>
    %add3A_1182 = arith.addi %min3A_1176, %add3A_1181 : vector<24x256xi32>
    %select_n3A_1183 = arith.select %lt3A_1179, %add3A_1182, %min3A_1176 : vector<24x256xi1>, vector<24x256xi32>
    %reshape3A_1184 = vector.shape_cast %select_n3A_1183 : vector<24x256xi32> to vector<24x256x1xi32>
    %gather3A_1185 = vector.shape_cast %reshape3A_1184 : vector<24x256x1xi32> to vector<24x256xi32>
    %gather3A_1186 = tpu.dynamic_gather %slice3A_1173[%gather3A_1185] in [1] : vector<24x128xf32>, vector<24x256xi32> -> vector<24x256xf32>
    %slice3A_1187 = vector.extract_strided_slice %get3A_1165 {offsets = [0, 128], sizes = [24, 128], strides = [1, 1]} : vector<24x256xf32> to vector<24x128xf32>
    %sub3A_1188 = arith.constant 128 : i32
    %sub3A_1189 = vector.broadcast %sub3A_1188 : i32 to vector<24x256xi32>
    %sub3A_1190 = arith.subi %broadcast_in_dim3A_1172, %sub3A_1189 : vector<24x256xi32>
    %max3A_1191 = arith.constant 0 : i32
    %max3A_1192 = vector.broadcast %max3A_1191 : i32 to vector<24x256xi32>
    %max3A_1193 = arith.maxsi %sub3A_1190, %max3A_1192 : vector<24x256xi32>
    %lt3A_1194 = arith.constant 0 : i32
    %lt3A_1195 = vector.broadcast %lt3A_1194 : i32 to vector<24x256xi32>
    %lt3A_1196 = arith.cmpi slt, %max3A_1193, %lt3A_1195 : vector<24x256xi32>
    %add3A_1197 = arith.constant 128 : i32
    %add3A_1198 = vector.broadcast %add3A_1197 : i32 to vector<24x256xi32>
    %add3A_1199 = arith.addi %max3A_1193, %add3A_1198 : vector<24x256xi32>
    %select_n3A_1200 = arith.select %lt3A_1196, %add3A_1199, %max3A_1193 : vector<24x256xi1>, vector<24x256xi32>
    %reshape3A_1201 = vector.shape_cast %select_n3A_1200 : vector<24x256xi32> to vector<24x256x1xi32>
    %gather3A_1202 = vector.shape_cast %reshape3A_1201 : vector<24x256x1xi32> to vector<24x256xi32>
    %gather3A_1203 = tpu.dynamic_gather %slice3A_1187[%gather3A_1202] in [1] : vector<24x128xf32>, vector<24x256xi32> -> vector<24x256xf32>
    %lt3A_1204 = arith.constant 128 : i32
    %lt3A_1205 = vector.broadcast %lt3A_1204 : i32 to vector<24x256xi32>
    %lt3A_1206 = arith.cmpi slt, %broadcast_in_dim3A_1172, %lt3A_1205 : vector<24x256xi32>
    %select_n3A_1207 = arith.select %lt3A_1206, %gather3A_1186, %gather3A_1203 : vector<24x256xi1>, vector<24x256xf32>
    %broadcast_in_dim3A_1208 = vector.shape_cast %argmax3A_1169 : vector<256xi32> to vector<1x256xi32>
    %get3A_1209 = arith.constant 23 : index
    %get3A_1210 = arith.constant 0 : index
    %get3A_1211 = arith.constant 0 : index
    %get3A_1212 = vector.load %arg2[%get3A_1209, %get3A_1210, %get3A_1211] : memref<32x256x24xf32, #tpu.memory_space<vmem>>, vector<1x256x24xf32>
    %get3A_1213 = vector.shape_cast %get3A_1212 : vector<1x256x24xf32> to vector<256x24xf32>
    %get3A_1214 = arith.constant 23 : index
    %get3A_1215 = arith.constant 0 : index
    %get3A_1216 = arith.constant 0 : index
    %get3A_1217 = vector.load %arg3[%get3A_1214, %get3A_1215, %get3A_1216] : memref<32x24x256xf32, #tpu.memory_space<vmem>>, vector<1x24x256xf32>
    %get3A_1218 = vector.shape_cast %get3A_1217 : vector<1x24x256xf32> to vector<24x256xf32>
    %slice3A_1219 = vector.extract_strided_slice %get3A_1 {offsets = [0, 552], sizes = [256, 24], strides = [1, 1]} : vector<256x768xf32> to vector<256x24xf32>
    %dot_general3A_1220 = arith.constant dense<0.000000e+00> : vector<256x256xf32>
    %dot_general3A_1221 = tpu.matmul %get3A_1213, %slice3A_1219, %dot_general3A_1220 {dimension_numbers = #tpu.dot_dimension_numbers<[1], [1], [0], [0], [0, 0, 1, 0], [], []>, transpose_lhs_hint = false} : vector<256x24xf32>, vector<256x24xf32>, vector<256x256xf32> -> vector<256x256xf32>
    %argmax3A_1222 = tpu.reduce_index %dot_general3A_1221 {axis = 0 : i32, kind = #tpu.reduction_kind<arg_max>} : vector<256x256xf32> -> vector<256xi32>
    %broadcast_in_dim3A_1223 = vector.shape_cast %argmax3A_1222 : vector<256xi32> to vector<1x256xi32>
    %broadcast_in_dim3A_1224 = vector.shape_cast %broadcast_in_dim3A_1223 : vector<1x256xi32> to vector<1x256xi32>
    %broadcast_in_dim3A_1225 = vector.broadcast %broadcast_in_dim3A_1224 : vector<1x256xi32> to vector<24x256xi32>
    %slice3A_1226 = vector.extract_strided_slice %get3A_1218 {offsets = [0, 0], sizes = [24, 128], strides = [1, 1]} : vector<24x256xf32> to vector<24x128xf32>
    %min3A_1227 = arith.constant 127 : i32
    %min3A_1228 = vector.broadcast %min3A_1227 : i32 to vector<24x256xi32>
    %min3A_1229 = arith.minsi %broadcast_in_dim3A_1225, %min3A_1228 : vector<24x256xi32>
    %lt3A_1230 = arith.constant 0 : i32
    %lt3A_1231 = vector.broadcast %lt3A_1230 : i32 to vector<24x256xi32>
    %lt3A_1232 = arith.cmpi slt, %min3A_1229, %lt3A_1231 : vector<24x256xi32>
    %add3A_1233 = arith.constant 128 : i32
    %add3A_1234 = vector.broadcast %add3A_1233 : i32 to vector<24x256xi32>
    %add3A_1235 = arith.addi %min3A_1229, %add3A_1234 : vector<24x256xi32>
    %select_n3A_1236 = arith.select %lt3A_1232, %add3A_1235, %min3A_1229 : vector<24x256xi1>, vector<24x256xi32>
    %reshape3A_1237 = vector.shape_cast %select_n3A_1236 : vector<24x256xi32> to vector<24x256x1xi32>
    %gather3A_1238 = vector.shape_cast %reshape3A_1237 : vector<24x256x1xi32> to vector<24x256xi32>
    %gather3A_1239 = tpu.dynamic_gather %slice3A_1226[%gather3A_1238] in [1] : vector<24x128xf32>, vector<24x256xi32> -> vector<24x256xf32>
    %slice3A_1240 = vector.extract_strided_slice %get3A_1218 {offsets = [0, 128], sizes = [24, 128], strides = [1, 1]} : vector<24x256xf32> to vector<24x128xf32>
    %sub3A_1241 = arith.constant 128 : i32
    %sub3A_1242 = vector.broadcast %sub3A_1241 : i32 to vector<24x256xi32>
    %sub3A_1243 = arith.subi %broadcast_in_dim3A_1225, %sub3A_1242 : vector<24x256xi32>
    %max3A_1244 = arith.constant 0 : i32
    %max3A_1245 = vector.broadcast %max3A_1244 : i32 to vector<24x256xi32>
    %max3A_1246 = arith.maxsi %sub3A_1243, %max3A_1245 : vector<24x256xi32>
    %lt3A_1247 = arith.constant 0 : i32
    %lt3A_1248 = vector.broadcast %lt3A_1247 : i32 to vector<24x256xi32>
    %lt3A_1249 = arith.cmpi slt, %max3A_1246, %lt3A_1248 : vector<24x256xi32>
    %add3A_1250 = arith.constant 128 : i32
    %add3A_1251 = vector.broadcast %add3A_1250 : i32 to vector<24x256xi32>
    %add3A_1252 = arith.addi %max3A_1246, %add3A_1251 : vector<24x256xi32>
    %select_n3A_1253 = arith.select %lt3A_1249, %add3A_1252, %max3A_1246 : vector<24x256xi1>, vector<24x256xi32>
    %reshape3A_1254 = vector.shape_cast %select_n3A_1253 : vector<24x256xi32> to vector<24x256x1xi32>
    %gather3A_1255 = vector.shape_cast %reshape3A_1254 : vector<24x256x1xi32> to vector<24x256xi32>
    %gather3A_1256 = tpu.dynamic_gather %slice3A_1240[%gather3A_1255] in [1] : vector<24x128xf32>, vector<24x256xi32> -> vector<24x256xf32>
    %lt3A_1257 = arith.constant 128 : i32
    %lt3A_1258 = vector.broadcast %lt3A_1257 : i32 to vector<24x256xi32>
    %lt3A_1259 = arith.cmpi slt, %broadcast_in_dim3A_1225, %lt3A_1258 : vector<24x256xi32>
    %select_n3A_1260 = arith.select %lt3A_1259, %gather3A_1239, %gather3A_1256 : vector<24x256xi1>, vector<24x256xf32>
    %broadcast_in_dim3A_1261 = vector.shape_cast %argmax3A_1222 : vector<256xi32> to vector<1x256xi32>
    %get3A_1262 = arith.constant 24 : index
    %get3A_1263 = arith.constant 0 : index
    %get3A_1264 = arith.constant 0 : index
    %get3A_1265 = vector.load %arg2[%get3A_1262, %get3A_1263, %get3A_1264] : memref<32x256x24xf32, #tpu.memory_space<vmem>>, vector<1x256x24xf32>
    %get3A_1266 = vector.shape_cast %get3A_1265 : vector<1x256x24xf32> to vector<256x24xf32>
    %get3A_1267 = arith.constant 24 : index
    %get3A_1268 = arith.constant 0 : index
    %get3A_1269 = arith.constant 0 : index
    %get3A_1270 = vector.load %arg3[%get3A_1267, %get3A_1268, %get3A_1269] : memref<32x24x256xf32, #tpu.memory_space<vmem>>, vector<1x24x256xf32>
    %get3A_1271 = vector.shape_cast %get3A_1270 : vector<1x24x256xf32> to vector<24x256xf32>
    %slice3A_1272 = vector.extract_strided_slice %get3A_1 {offsets = [0, 576], sizes = [256, 24], strides = [1, 1]} : vector<256x768xf32> to vector<256x24xf32>
    %dot_general3A_1273 = arith.constant dense<0.000000e+00> : vector<256x256xf32>
    %dot_general3A_1274 = tpu.matmul %get3A_1266, %slice3A_1272, %dot_general3A_1273 {dimension_numbers = #tpu.dot_dimension_numbers<[1], [1], [0], [0], [0, 0, 1, 0], [], []>, transpose_lhs_hint = false} : vector<256x24xf32>, vector<256x24xf32>, vector<256x256xf32> -> vector<256x256xf32>
    %argmax3A_1275 = tpu.reduce_index %dot_general3A_1274 {axis = 0 : i32, kind = #tpu.reduction_kind<arg_max>} : vector<256x256xf32> -> vector<256xi32>
    %broadcast_in_dim3A_1276 = vector.shape_cast %argmax3A_1275 : vector<256xi32> to vector<1x256xi32>
    %broadcast_in_dim3A_1277 = vector.shape_cast %broadcast_in_dim3A_1276 : vector<1x256xi32> to vector<1x256xi32>
    %broadcast_in_dim3A_1278 = vector.broadcast %broadcast_in_dim3A_1277 : vector<1x256xi32> to vector<24x256xi32>
    %slice3A_1279 = vector.extract_strided_slice %get3A_1271 {offsets = [0, 0], sizes = [24, 128], strides = [1, 1]} : vector<24x256xf32> to vector<24x128xf32>
    %min3A_1280 = arith.constant 127 : i32
    %min3A_1281 = vector.broadcast %min3A_1280 : i32 to vector<24x256xi32>
    %min3A_1282 = arith.minsi %broadcast_in_dim3A_1278, %min3A_1281 : vector<24x256xi32>
    %lt3A_1283 = arith.constant 0 : i32
    %lt3A_1284 = vector.broadcast %lt3A_1283 : i32 to vector<24x256xi32>
    %lt3A_1285 = arith.cmpi slt, %min3A_1282, %lt3A_1284 : vector<24x256xi32>
    %add3A_1286 = arith.constant 128 : i32
    %add3A_1287 = vector.broadcast %add3A_1286 : i32 to vector<24x256xi32>
    %add3A_1288 = arith.addi %min3A_1282, %add3A_1287 : vector<24x256xi32>
    %select_n3A_1289 = arith.select %lt3A_1285, %add3A_1288, %min3A_1282 : vector<24x256xi1>, vector<24x256xi32>
    %reshape3A_1290 = vector.shape_cast %select_n3A_1289 : vector<24x256xi32> to vector<24x256x1xi32>
    %gather3A_1291 = vector.shape_cast %reshape3A_1290 : vector<24x256x1xi32> to vector<24x256xi32>
    %gather3A_1292 = tpu.dynamic_gather %slice3A_1279[%gather3A_1291] in [1] : vector<24x128xf32>, vector<24x256xi32> -> vector<24x256xf32>
    %slice3A_1293 = vector.extract_strided_slice %get3A_1271 {offsets = [0, 128], sizes = [24, 128], strides = [1, 1]} : vector<24x256xf32> to vector<24x128xf32>
    %sub3A_1294 = arith.constant 128 : i32
    %sub3A_1295 = vector.broadcast %sub3A_1294 : i32 to vector<24x256xi32>
    %sub3A_1296 = arith.subi %broadcast_in_dim3A_1278, %sub3A_1295 : vector<24x256xi32>
    %max3A_1297 = arith.constant 0 : i32
    %max3A_1298 = vector.broadcast %max3A_1297 : i32 to vector<24x256xi32>
    %max3A_1299 = arith.maxsi %sub3A_1296, %max3A_1298 : vector<24x256xi32>
    %lt3A_1300 = arith.constant 0 : i32
    %lt3A_1301 = vector.broadcast %lt3A_1300 : i32 to vector<24x256xi32>
    %lt3A_1302 = arith.cmpi slt, %max3A_1299, %lt3A_1301 : vector<24x256xi32>
    %add3A_1303 = arith.constant 128 : i32
    %add3A_1304 = vector.broadcast %add3A_1303 : i32 to vector<24x256xi32>
    %add3A_1305 = arith.addi %max3A_1299, %add3A_1304 : vector<24x256xi32>
    %select_n3A_1306 = arith.select %lt3A_1302, %add3A_1305, %max3A_1299 : vector<24x256xi1>, vector<24x256xi32>
    %reshape3A_1307 = vector.shape_cast %select_n3A_1306 : vector<24x256xi32> to vector<24x256x1xi32>
    %gather3A_1308 = vector.shape_cast %reshape3A_1307 : vector<24x256x1xi32> to vector<24x256xi32>
    %gather3A_1309 = tpu.dynamic_gather %slice3A_1293[%gather3A_1308] in [1] : vector<24x128xf32>, vector<24x256xi32> -> vector<24x256xf32>
    %lt3A_1310 = arith.constant 128 : i32
    %lt3A_1311 = vector.broadcast %lt3A_1310 : i32 to vector<24x256xi32>
    %lt3A_1312 = arith.cmpi slt, %broadcast_in_dim3A_1278, %lt3A_1311 : vector<24x256xi32>
    %select_n3A_1313 = arith.select %lt3A_1312, %gather3A_1292, %gather3A_1309 : vector<24x256xi1>, vector<24x256xf32>
    %broadcast_in_dim3A_1314 = vector.shape_cast %argmax3A_1275 : vector<256xi32> to vector<1x256xi32>
    %get3A_1315 = arith.constant 25 : index
    %get3A_1316 = arith.constant 0 : index
    %get3A_1317 = arith.constant 0 : index
    %get3A_1318 = vector.load %arg2[%get3A_1315, %get3A_1316, %get3A_1317] : memref<32x256x24xf32, #tpu.memory_space<vmem>>, vector<1x256x24xf32>
    %get3A_1319 = vector.shape_cast %get3A_1318 : vector<1x256x24xf32> to vector<256x24xf32>
    %get3A_1320 = arith.constant 25 : index
    %get3A_1321 = arith.constant 0 : index
    %get3A_1322 = arith.constant 0 : index
    %get3A_1323 = vector.load %arg3[%get3A_1320, %get3A_1321, %get3A_1322] : memref<32x24x256xf32, #tpu.memory_space<vmem>>, vector<1x24x256xf32>
    %get3A_1324 = vector.shape_cast %get3A_1323 : vector<1x24x256xf32> to vector<24x256xf32>
    %slice3A_1325 = vector.extract_strided_slice %get3A_1 {offsets = [0, 600], sizes = [256, 24], strides = [1, 1]} : vector<256x768xf32> to vector<256x24xf32>
    %dot_general3A_1326 = arith.constant dense<0.000000e+00> : vector<256x256xf32>
    %dot_general3A_1327 = tpu.matmul %get3A_1319, %slice3A_1325, %dot_general3A_1326 {dimension_numbers = #tpu.dot_dimension_numbers<[1], [1], [0], [0], [0, 0, 1, 0], [], []>, transpose_lhs_hint = false} : vector<256x24xf32>, vector<256x24xf32>, vector<256x256xf32> -> vector<256x256xf32>
    %argmax3A_1328 = tpu.reduce_index %dot_general3A_1327 {axis = 0 : i32, kind = #tpu.reduction_kind<arg_max>} : vector<256x256xf32> -> vector<256xi32>
    %broadcast_in_dim3A_1329 = vector.shape_cast %argmax3A_1328 : vector<256xi32> to vector<1x256xi32>
    %broadcast_in_dim3A_1330 = vector.shape_cast %broadcast_in_dim3A_1329 : vector<1x256xi32> to vector<1x256xi32>
    %broadcast_in_dim3A_1331 = vector.broadcast %broadcast_in_dim3A_1330 : vector<1x256xi32> to vector<24x256xi32>
    %slice3A_1332 = vector.extract_strided_slice %get3A_1324 {offsets = [0, 0], sizes = [24, 128], strides = [1, 1]} : vector<24x256xf32> to vector<24x128xf32>
    %min3A_1333 = arith.constant 127 : i32
    %min3A_1334 = vector.broadcast %min3A_1333 : i32 to vector<24x256xi32>
    %min3A_1335 = arith.minsi %broadcast_in_dim3A_1331, %min3A_1334 : vector<24x256xi32>
    %lt3A_1336 = arith.constant 0 : i32
    %lt3A_1337 = vector.broadcast %lt3A_1336 : i32 to vector<24x256xi32>
    %lt3A_1338 = arith.cmpi slt, %min3A_1335, %lt3A_1337 : vector<24x256xi32>
    %add3A_1339 = arith.constant 128 : i32
    %add3A_1340 = vector.broadcast %add3A_1339 : i32 to vector<24x256xi32>
    %add3A_1341 = arith.addi %min3A_1335, %add3A_1340 : vector<24x256xi32>
    %select_n3A_1342 = arith.select %lt3A_1338, %add3A_1341, %min3A_1335 : vector<24x256xi1>, vector<24x256xi32>
    %reshape3A_1343 = vector.shape_cast %select_n3A_1342 : vector<24x256xi32> to vector<24x256x1xi32>
    %gather3A_1344 = vector.shape_cast %reshape3A_1343 : vector<24x256x1xi32> to vector<24x256xi32>
    %gather3A_1345 = tpu.dynamic_gather %slice3A_1332[%gather3A_1344] in [1] : vector<24x128xf32>, vector<24x256xi32> -> vector<24x256xf32>
    %slice3A_1346 = vector.extract_strided_slice %get3A_1324 {offsets = [0, 128], sizes = [24, 128], strides = [1, 1]} : vector<24x256xf32> to vector<24x128xf32>
    %sub3A_1347 = arith.constant 128 : i32
    %sub3A_1348 = vector.broadcast %sub3A_1347 : i32 to vector<24x256xi32>
    %sub3A_1349 = arith.subi %broadcast_in_dim3A_1331, %sub3A_1348 : vector<24x256xi32>
    %max3A_1350 = arith.constant 0 : i32
    %max3A_1351 = vector.broadcast %max3A_1350 : i32 to vector<24x256xi32>
    %max3A_1352 = arith.maxsi %sub3A_1349, %max3A_1351 : vector<24x256xi32>
    %lt3A_1353 = arith.constant 0 : i32
    %lt3A_1354 = vector.broadcast %lt3A_1353 : i32 to vector<24x256xi32>
    %lt3A_1355 = arith.cmpi slt, %max3A_1352, %lt3A_1354 : vector<24x256xi32>
    %add3A_1356 = arith.constant 128 : i32
    %add3A_1357 = vector.broadcast %add3A_1356 : i32 to vector<24x256xi32>
    %add3A_1358 = arith.addi %max3A_1352, %add3A_1357 : vector<24x256xi32>
    %select_n3A_1359 = arith.select %lt3A_1355, %add3A_1358, %max3A_1352 : vector<24x256xi1>, vector<24x256xi32>
    %reshape3A_1360 = vector.shape_cast %select_n3A_1359 : vector<24x256xi32> to vector<24x256x1xi32>
    %gather3A_1361 = vector.shape_cast %reshape3A_1360 : vector<24x256x1xi32> to vector<24x256xi32>
    %gather3A_1362 = tpu.dynamic_gather %slice3A_1346[%gather3A_1361] in [1] : vector<24x128xf32>, vector<24x256xi32> -> vector<24x256xf32>
    %lt3A_1363 = arith.constant 128 : i32
    %lt3A_1364 = vector.broadcast %lt3A_1363 : i32 to vector<24x256xi32>
    %lt3A_1365 = arith.cmpi slt, %broadcast_in_dim3A_1331, %lt3A_1364 : vector<24x256xi32>
    %select_n3A_1366 = arith.select %lt3A_1365, %gather3A_1345, %gather3A_1362 : vector<24x256xi1>, vector<24x256xf32>
    %broadcast_in_dim3A_1367 = vector.shape_cast %argmax3A_1328 : vector<256xi32> to vector<1x256xi32>
    %get3A_1368 = arith.constant 26 : index
    %get3A_1369 = arith.constant 0 : index
    %get3A_1370 = arith.constant 0 : index
    %get3A_1371 = vector.load %arg2[%get3A_1368, %get3A_1369, %get3A_1370] : memref<32x256x24xf32, #tpu.memory_space<vmem>>, vector<1x256x24xf32>
    %get3A_1372 = vector.shape_cast %get3A_1371 : vector<1x256x24xf32> to vector<256x24xf32>
    %get3A_1373 = arith.constant 26 : index
    %get3A_1374 = arith.constant 0 : index
    %get3A_1375 = arith.constant 0 : index
    %get3A_1376 = vector.load %arg3[%get3A_1373, %get3A_1374, %get3A_1375] : memref<32x24x256xf32, #tpu.memory_space<vmem>>, vector<1x24x256xf32>
    %get3A_1377 = vector.shape_cast %get3A_1376 : vector<1x24x256xf32> to vector<24x256xf32>
    %slice3A_1378 = vector.extract_strided_slice %get3A_1 {offsets = [0, 624], sizes = [256, 24], strides = [1, 1]} : vector<256x768xf32> to vector<256x24xf32>
    %dot_general3A_1379 = arith.constant dense<0.000000e+00> : vector<256x256xf32>
    %dot_general3A_1380 = tpu.matmul %get3A_1372, %slice3A_1378, %dot_general3A_1379 {dimension_numbers = #tpu.dot_dimension_numbers<[1], [1], [0], [0], [0, 0, 1, 0], [], []>, transpose_lhs_hint = false} : vector<256x24xf32>, vector<256x24xf32>, vector<256x256xf32> -> vector<256x256xf32>
    %argmax3A_1381 = tpu.reduce_index %dot_general3A_1380 {axis = 0 : i32, kind = #tpu.reduction_kind<arg_max>} : vector<256x256xf32> -> vector<256xi32>
    %broadcast_in_dim3A_1382 = vector.shape_cast %argmax3A_1381 : vector<256xi32> to vector<1x256xi32>
    %broadcast_in_dim3A_1383 = vector.shape_cast %broadcast_in_dim3A_1382 : vector<1x256xi32> to vector<1x256xi32>
    %broadcast_in_dim3A_1384 = vector.broadcast %broadcast_in_dim3A_1383 : vector<1x256xi32> to vector<24x256xi32>
    %slice3A_1385 = vector.extract_strided_slice %get3A_1377 {offsets = [0, 0], sizes = [24, 128], strides = [1, 1]} : vector<24x256xf32> to vector<24x128xf32>
    %min3A_1386 = arith.constant 127 : i32
    %min3A_1387 = vector.broadcast %min3A_1386 : i32 to vector<24x256xi32>
    %min3A_1388 = arith.minsi %broadcast_in_dim3A_1384, %min3A_1387 : vector<24x256xi32>
    %lt3A_1389 = arith.constant 0 : i32
    %lt3A_1390 = vector.broadcast %lt3A_1389 : i32 to vector<24x256xi32>
    %lt3A_1391 = arith.cmpi slt, %min3A_1388, %lt3A_1390 : vector<24x256xi32>
    %add3A_1392 = arith.constant 128 : i32
    %add3A_1393 = vector.broadcast %add3A_1392 : i32 to vector<24x256xi32>
    %add3A_1394 = arith.addi %min3A_1388, %add3A_1393 : vector<24x256xi32>
    %select_n3A_1395 = arith.select %lt3A_1391, %add3A_1394, %min3A_1388 : vector<24x256xi1>, vector<24x256xi32>
    %reshape3A_1396 = vector.shape_cast %select_n3A_1395 : vector<24x256xi32> to vector<24x256x1xi32>
    %gather3A_1397 = vector.shape_cast %reshape3A_1396 : vector<24x256x1xi32> to vector<24x256xi32>
    %gather3A_1398 = tpu.dynamic_gather %slice3A_1385[%gather3A_1397] in [1] : vector<24x128xf32>, vector<24x256xi32> -> vector<24x256xf32>
    %slice3A_1399 = vector.extract_strided_slice %get3A_1377 {offsets = [0, 128], sizes = [24, 128], strides = [1, 1]} : vector<24x256xf32> to vector<24x128xf32>
    %sub3A_1400 = arith.constant 128 : i32
    %sub3A_1401 = vector.broadcast %sub3A_1400 : i32 to vector<24x256xi32>
    %sub3A_1402 = arith.subi %broadcast_in_dim3A_1384, %sub3A_1401 : vector<24x256xi32>
    %max3A_1403 = arith.constant 0 : i32
    %max3A_1404 = vector.broadcast %max3A_1403 : i32 to vector<24x256xi32>
    %max3A_1405 = arith.maxsi %sub3A_1402, %max3A_1404 : vector<24x256xi32>
    %lt3A_1406 = arith.constant 0 : i32
    %lt3A_1407 = vector.broadcast %lt3A_1406 : i32 to vector<24x256xi32>
    %lt3A_1408 = arith.cmpi slt, %max3A_1405, %lt3A_1407 : vector<24x256xi32>
    %add3A_1409 = arith.constant 128 : i32
    %add3A_1410 = vector.broadcast %add3A_1409 : i32 to vector<24x256xi32>
    %add3A_1411 = arith.addi %max3A_1405, %add3A_1410 : vector<24x256xi32>
    %select_n3A_1412 = arith.select %lt3A_1408, %add3A_1411, %max3A_1405 : vector<24x256xi1>, vector<24x256xi32>
    %reshape3A_1413 = vector.shape_cast %select_n3A_1412 : vector<24x256xi32> to vector<24x256x1xi32>
    %gather3A_1414 = vector.shape_cast %reshape3A_1413 : vector<24x256x1xi32> to vector<24x256xi32>
    %gather3A_1415 = tpu.dynamic_gather %slice3A_1399[%gather3A_1414] in [1] : vector<24x128xf32>, vector<24x256xi32> -> vector<24x256xf32>
    %lt3A_1416 = arith.constant 128 : i32
    %lt3A_1417 = vector.broadcast %lt3A_1416 : i32 to vector<24x256xi32>
    %lt3A_1418 = arith.cmpi slt, %broadcast_in_dim3A_1384, %lt3A_1417 : vector<24x256xi32>
    %select_n3A_1419 = arith.select %lt3A_1418, %gather3A_1398, %gather3A_1415 : vector<24x256xi1>, vector<24x256xf32>
    %broadcast_in_dim3A_1420 = vector.shape_cast %argmax3A_1381 : vector<256xi32> to vector<1x256xi32>
    %get3A_1421 = arith.constant 27 : index
    %get3A_1422 = arith.constant 0 : index
    %get3A_1423 = arith.constant 0 : index
    %get3A_1424 = vector.load %arg2[%get3A_1421, %get3A_1422, %get3A_1423] : memref<32x256x24xf32, #tpu.memory_space<vmem>>, vector<1x256x24xf32>
    %get3A_1425 = vector.shape_cast %get3A_1424 : vector<1x256x24xf32> to vector<256x24xf32>
    %get3A_1426 = arith.constant 27 : index
    %get3A_1427 = arith.constant 0 : index
    %get3A_1428 = arith.constant 0 : index
    %get3A_1429 = vector.load %arg3[%get3A_1426, %get3A_1427, %get3A_1428] : memref<32x24x256xf32, #tpu.memory_space<vmem>>, vector<1x24x256xf32>
    %get3A_1430 = vector.shape_cast %get3A_1429 : vector<1x24x256xf32> to vector<24x256xf32>
    %slice3A_1431 = vector.extract_strided_slice %get3A_1 {offsets = [0, 648], sizes = [256, 24], strides = [1, 1]} : vector<256x768xf32> to vector<256x24xf32>
    %dot_general3A_1432 = arith.constant dense<0.000000e+00> : vector<256x256xf32>
    %dot_general3A_1433 = tpu.matmul %get3A_1425, %slice3A_1431, %dot_general3A_1432 {dimension_numbers = #tpu.dot_dimension_numbers<[1], [1], [0], [0], [0, 0, 1, 0], [], []>, transpose_lhs_hint = false} : vector<256x24xf32>, vector<256x24xf32>, vector<256x256xf32> -> vector<256x256xf32>
    %argmax3A_1434 = tpu.reduce_index %dot_general3A_1433 {axis = 0 : i32, kind = #tpu.reduction_kind<arg_max>} : vector<256x256xf32> -> vector<256xi32>
    %broadcast_in_dim3A_1435 = vector.shape_cast %argmax3A_1434 : vector<256xi32> to vector<1x256xi32>
    %broadcast_in_dim3A_1436 = vector.shape_cast %broadcast_in_dim3A_1435 : vector<1x256xi32> to vector<1x256xi32>
    %broadcast_in_dim3A_1437 = vector.broadcast %broadcast_in_dim3A_1436 : vector<1x256xi32> to vector<24x256xi32>
    %slice3A_1438 = vector.extract_strided_slice %get3A_1430 {offsets = [0, 0], sizes = [24, 128], strides = [1, 1]} : vector<24x256xf32> to vector<24x128xf32>
    %min3A_1439 = arith.constant 127 : i32
    %min3A_1440 = vector.broadcast %min3A_1439 : i32 to vector<24x256xi32>
    %min3A_1441 = arith.minsi %broadcast_in_dim3A_1437, %min3A_1440 : vector<24x256xi32>
    %lt3A_1442 = arith.constant 0 : i32
    %lt3A_1443 = vector.broadcast %lt3A_1442 : i32 to vector<24x256xi32>
    %lt3A_1444 = arith.cmpi slt, %min3A_1441, %lt3A_1443 : vector<24x256xi32>
    %add3A_1445 = arith.constant 128 : i32
    %add3A_1446 = vector.broadcast %add3A_1445 : i32 to vector<24x256xi32>
    %add3A_1447 = arith.addi %min3A_1441, %add3A_1446 : vector<24x256xi32>
    %select_n3A_1448 = arith.select %lt3A_1444, %add3A_1447, %min3A_1441 : vector<24x256xi1>, vector<24x256xi32>
    %reshape3A_1449 = vector.shape_cast %select_n3A_1448 : vector<24x256xi32> to vector<24x256x1xi32>
    %gather3A_1450 = vector.shape_cast %reshape3A_1449 : vector<24x256x1xi32> to vector<24x256xi32>
    %gather3A_1451 = tpu.dynamic_gather %slice3A_1438[%gather3A_1450] in [1] : vector<24x128xf32>, vector<24x256xi32> -> vector<24x256xf32>
    %slice3A_1452 = vector.extract_strided_slice %get3A_1430 {offsets = [0, 128], sizes = [24, 128], strides = [1, 1]} : vector<24x256xf32> to vector<24x128xf32>
    %sub3A_1453 = arith.constant 128 : i32
    %sub3A_1454 = vector.broadcast %sub3A_1453 : i32 to vector<24x256xi32>
    %sub3A_1455 = arith.subi %broadcast_in_dim3A_1437, %sub3A_1454 : vector<24x256xi32>
    %max3A_1456 = arith.constant 0 : i32
    %max3A_1457 = vector.broadcast %max3A_1456 : i32 to vector<24x256xi32>
    %max3A_1458 = arith.maxsi %sub3A_1455, %max3A_1457 : vector<24x256xi32>
    %lt3A_1459 = arith.constant 0 : i32
    %lt3A_1460 = vector.broadcast %lt3A_1459 : i32 to vector<24x256xi32>
    %lt3A_1461 = arith.cmpi slt, %max3A_1458, %lt3A_1460 : vector<24x256xi32>
    %add3A_1462 = arith.constant 128 : i32
    %add3A_1463 = vector.broadcast %add3A_1462 : i32 to vector<24x256xi32>
    %add3A_1464 = arith.addi %max3A_1458, %add3A_1463 : vector<24x256xi32>
    %select_n3A_1465 = arith.select %lt3A_1461, %add3A_1464, %max3A_1458 : vector<24x256xi1>, vector<24x256xi32>
    %reshape3A_1466 = vector.shape_cast %select_n3A_1465 : vector<24x256xi32> to vector<24x256x1xi32>
    %gather3A_1467 = vector.shape_cast %reshape3A_1466 : vector<24x256x1xi32> to vector<24x256xi32>
    %gather3A_1468 = tpu.dynamic_gather %slice3A_1452[%gather3A_1467] in [1] : vector<24x128xf32>, vector<24x256xi32> -> vector<24x256xf32>
    %lt3A_1469 = arith.constant 128 : i32
    %lt3A_1470 = vector.broadcast %lt3A_1469 : i32 to vector<24x256xi32>
    %lt3A_1471 = arith.cmpi slt, %broadcast_in_dim3A_1437, %lt3A_1470 : vector<24x256xi32>
    %select_n3A_1472 = arith.select %lt3A_1471, %gather3A_1451, %gather3A_1468 : vector<24x256xi1>, vector<24x256xf32>
    %broadcast_in_dim3A_1473 = vector.shape_cast %argmax3A_1434 : vector<256xi32> to vector<1x256xi32>
    %get3A_1474 = arith.constant 28 : index
    %get3A_1475 = arith.constant 0 : index
    %get3A_1476 = arith.constant 0 : index
    %get3A_1477 = vector.load %arg2[%get3A_1474, %get3A_1475, %get3A_1476] : memref<32x256x24xf32, #tpu.memory_space<vmem>>, vector<1x256x24xf32>
    %get3A_1478 = vector.shape_cast %get3A_1477 : vector<1x256x24xf32> to vector<256x24xf32>
    %get3A_1479 = arith.constant 28 : index
    %get3A_1480 = arith.constant 0 : index
    %get3A_1481 = arith.constant 0 : index
    %get3A_1482 = vector.load %arg3[%get3A_1479, %get3A_1480, %get3A_1481] : memref<32x24x256xf32, #tpu.memory_space<vmem>>, vector<1x24x256xf32>
    %get3A_1483 = vector.shape_cast %get3A_1482 : vector<1x24x256xf32> to vector<24x256xf32>
    %slice3A_1484 = vector.extract_strided_slice %get3A_1 {offsets = [0, 672], sizes = [256, 24], strides = [1, 1]} : vector<256x768xf32> to vector<256x24xf32>
    %dot_general3A_1485 = arith.constant dense<0.000000e+00> : vector<256x256xf32>
    %dot_general3A_1486 = tpu.matmul %get3A_1478, %slice3A_1484, %dot_general3A_1485 {dimension_numbers = #tpu.dot_dimension_numbers<[1], [1], [0], [0], [0, 0, 1, 0], [], []>, transpose_lhs_hint = false} : vector<256x24xf32>, vector<256x24xf32>, vector<256x256xf32> -> vector<256x256xf32>
    %argmax3A_1487 = tpu.reduce_index %dot_general3A_1486 {axis = 0 : i32, kind = #tpu.reduction_kind<arg_max>} : vector<256x256xf32> -> vector<256xi32>
    %broadcast_in_dim3A_1488 = vector.shape_cast %argmax3A_1487 : vector<256xi32> to vector<1x256xi32>
    %broadcast_in_dim3A_1489 = vector.shape_cast %broadcast_in_dim3A_1488 : vector<1x256xi32> to vector<1x256xi32>
    %broadcast_in_dim3A_1490 = vector.broadcast %broadcast_in_dim3A_1489 : vector<1x256xi32> to vector<24x256xi32>
    %slice3A_1491 = vector.extract_strided_slice %get3A_1483 {offsets = [0, 0], sizes = [24, 128], strides = [1, 1]} : vector<24x256xf32> to vector<24x128xf32>
    %min3A_1492 = arith.constant 127 : i32
    %min3A_1493 = vector.broadcast %min3A_1492 : i32 to vector<24x256xi32>
    %min3A_1494 = arith.minsi %broadcast_in_dim3A_1490, %min3A_1493 : vector<24x256xi32>
    %lt3A_1495 = arith.constant 0 : i32
    %lt3A_1496 = vector.broadcast %lt3A_1495 : i32 to vector<24x256xi32>
    %lt3A_1497 = arith.cmpi slt, %min3A_1494, %lt3A_1496 : vector<24x256xi32>
    %add3A_1498 = arith.constant 128 : i32
    %add3A_1499 = vector.broadcast %add3A_1498 : i32 to vector<24x256xi32>
    %add3A_1500 = arith.addi %min3A_1494, %add3A_1499 : vector<24x256xi32>
    %select_n3A_1501 = arith.select %lt3A_1497, %add3A_1500, %min3A_1494 : vector<24x256xi1>, vector<24x256xi32>
    %reshape3A_1502 = vector.shape_cast %select_n3A_1501 : vector<24x256xi32> to vector<24x256x1xi32>
    %gather3A_1503 = vector.shape_cast %reshape3A_1502 : vector<24x256x1xi32> to vector<24x256xi32>
    %gather3A_1504 = tpu.dynamic_gather %slice3A_1491[%gather3A_1503] in [1] : vector<24x128xf32>, vector<24x256xi32> -> vector<24x256xf32>
    %slice3A_1505 = vector.extract_strided_slice %get3A_1483 {offsets = [0, 128], sizes = [24, 128], strides = [1, 1]} : vector<24x256xf32> to vector<24x128xf32>
    %sub3A_1506 = arith.constant 128 : i32
    %sub3A_1507 = vector.broadcast %sub3A_1506 : i32 to vector<24x256xi32>
    %sub3A_1508 = arith.subi %broadcast_in_dim3A_1490, %sub3A_1507 : vector<24x256xi32>
    %max3A_1509 = arith.constant 0 : i32
    %max3A_1510 = vector.broadcast %max3A_1509 : i32 to vector<24x256xi32>
    %max3A_1511 = arith.maxsi %sub3A_1508, %max3A_1510 : vector<24x256xi32>
    %lt3A_1512 = arith.constant 0 : i32
    %lt3A_1513 = vector.broadcast %lt3A_1512 : i32 to vector<24x256xi32>
    %lt3A_1514 = arith.cmpi slt, %max3A_1511, %lt3A_1513 : vector<24x256xi32>
    %add3A_1515 = arith.constant 128 : i32
    %add3A_1516 = vector.broadcast %add3A_1515 : i32 to vector<24x256xi32>
    %add3A_1517 = arith.addi %max3A_1511, %add3A_1516 : vector<24x256xi32>
    %select_n3A_1518 = arith.select %lt3A_1514, %add3A_1517, %max3A_1511 : vector<24x256xi1>, vector<24x256xi32>
    %reshape3A_1519 = vector.shape_cast %select_n3A_1518 : vector<24x256xi32> to vector<24x256x1xi32>
    %gather3A_1520 = vector.shape_cast %reshape3A_1519 : vector<24x256x1xi32> to vector<24x256xi32>
    %gather3A_1521 = tpu.dynamic_gather %slice3A_1505[%gather3A_1520] in [1] : vector<24x128xf32>, vector<24x256xi32> -> vector<24x256xf32>
    %lt3A_1522 = arith.constant 128 : i32
    %lt3A_1523 = vector.broadcast %lt3A_1522 : i32 to vector<24x256xi32>
    %lt3A_1524 = arith.cmpi slt, %broadcast_in_dim3A_1490, %lt3A_1523 : vector<24x256xi32>
    %select_n3A_1525 = arith.select %lt3A_1524, %gather3A_1504, %gather3A_1521 : vector<24x256xi1>, vector<24x256xf32>
    %broadcast_in_dim3A_1526 = vector.shape_cast %argmax3A_1487 : vector<256xi32> to vector<1x256xi32>
    %get3A_1527 = arith.constant 29 : index
    %get3A_1528 = arith.constant 0 : index
    %get3A_1529 = arith.constant 0 : index
    %get3A_1530 = vector.load %arg2[%get3A_1527, %get3A_1528, %get3A_1529] : memref<32x256x24xf32, #tpu.memory_space<vmem>>, vector<1x256x24xf32>
    %get3A_1531 = vector.shape_cast %get3A_1530 : vector<1x256x24xf32> to vector<256x24xf32>
    %get3A_1532 = arith.constant 29 : index
    %get3A_1533 = arith.constant 0 : index
    %get3A_1534 = arith.constant 0 : index
    %get3A_1535 = vector.load %arg3[%get3A_1532, %get3A_1533, %get3A_1534] : memref<32x24x256xf32, #tpu.memory_space<vmem>>, vector<1x24x256xf32>
    %get3A_1536 = vector.shape_cast %get3A_1535 : vector<1x24x256xf32> to vector<24x256xf32>
    %slice3A_1537 = vector.extract_strided_slice %get3A_1 {offsets = [0, 696], sizes = [256, 24], strides = [1, 1]} : vector<256x768xf32> to vector<256x24xf32>
    %dot_general3A_1538 = arith.constant dense<0.000000e+00> : vector<256x256xf32>
    %dot_general3A_1539 = tpu.matmul %get3A_1531, %slice3A_1537, %dot_general3A_1538 {dimension_numbers = #tpu.dot_dimension_numbers<[1], [1], [0], [0], [0, 0, 1, 0], [], []>, transpose_lhs_hint = false} : vector<256x24xf32>, vector<256x24xf32>, vector<256x256xf32> -> vector<256x256xf32>
    %argmax3A_1540 = tpu.reduce_index %dot_general3A_1539 {axis = 0 : i32, kind = #tpu.reduction_kind<arg_max>} : vector<256x256xf32> -> vector<256xi32>
    %broadcast_in_dim3A_1541 = vector.shape_cast %argmax3A_1540 : vector<256xi32> to vector<1x256xi32>
    %broadcast_in_dim3A_1542 = vector.shape_cast %broadcast_in_dim3A_1541 : vector<1x256xi32> to vector<1x256xi32>
    %broadcast_in_dim3A_1543 = vector.broadcast %broadcast_in_dim3A_1542 : vector<1x256xi32> to vector<24x256xi32>
    %slice3A_1544 = vector.extract_strided_slice %get3A_1536 {offsets = [0, 0], sizes = [24, 128], strides = [1, 1]} : vector<24x256xf32> to vector<24x128xf32>
    %min3A_1545 = arith.constant 127 : i32
    %min3A_1546 = vector.broadcast %min3A_1545 : i32 to vector<24x256xi32>
    %min3A_1547 = arith.minsi %broadcast_in_dim3A_1543, %min3A_1546 : vector<24x256xi32>
    %lt3A_1548 = arith.constant 0 : i32
    %lt3A_1549 = vector.broadcast %lt3A_1548 : i32 to vector<24x256xi32>
    %lt3A_1550 = arith.cmpi slt, %min3A_1547, %lt3A_1549 : vector<24x256xi32>
    %add3A_1551 = arith.constant 128 : i32
    %add3A_1552 = vector.broadcast %add3A_1551 : i32 to vector<24x256xi32>
    %add3A_1553 = arith.addi %min3A_1547, %add3A_1552 : vector<24x256xi32>
    %select_n3A_1554 = arith.select %lt3A_1550, %add3A_1553, %min3A_1547 : vector<24x256xi1>, vector<24x256xi32>
    %reshape3A_1555 = vector.shape_cast %select_n3A_1554 : vector<24x256xi32> to vector<24x256x1xi32>
    %gather3A_1556 = vector.shape_cast %reshape3A_1555 : vector<24x256x1xi32> to vector<24x256xi32>
    %gather3A_1557 = tpu.dynamic_gather %slice3A_1544[%gather3A_1556] in [1] : vector<24x128xf32>, vector<24x256xi32> -> vector<24x256xf32>
    %slice3A_1558 = vector.extract_strided_slice %get3A_1536 {offsets = [0, 128], sizes = [24, 128], strides = [1, 1]} : vector<24x256xf32> to vector<24x128xf32>
    %sub3A_1559 = arith.constant 128 : i32
    %sub3A_1560 = vector.broadcast %sub3A_1559 : i32 to vector<24x256xi32>
    %sub3A_1561 = arith.subi %broadcast_in_dim3A_1543, %sub3A_1560 : vector<24x256xi32>
    %max3A_1562 = arith.constant 0 : i32
    %max3A_1563 = vector.broadcast %max3A_1562 : i32 to vector<24x256xi32>
    %max3A_1564 = arith.maxsi %sub3A_1561, %max3A_1563 : vector<24x256xi32>
    %lt3A_1565 = arith.constant 0 : i32
    %lt3A_1566 = vector.broadcast %lt3A_1565 : i32 to vector<24x256xi32>
    %lt3A_1567 = arith.cmpi slt, %max3A_1564, %lt3A_1566 : vector<24x256xi32>
    %add3A_1568 = arith.constant 128 : i32
    %add3A_1569 = vector.broadcast %add3A_1568 : i32 to vector<24x256xi32>
    %add3A_1570 = arith.addi %max3A_1564, %add3A_1569 : vector<24x256xi32>
    %select_n3A_1571 = arith.select %lt3A_1567, %add3A_1570, %max3A_1564 : vector<24x256xi1>, vector<24x256xi32>
    %reshape3A_1572 = vector.shape_cast %select_n3A_1571 : vector<24x256xi32> to vector<24x256x1xi32>
    %gather3A_1573 = vector.shape_cast %reshape3A_1572 : vector<24x256x1xi32> to vector<24x256xi32>
    %gather3A_1574 = tpu.dynamic_gather %slice3A_1558[%gather3A_1573] in [1] : vector<24x128xf32>, vector<24x256xi32> -> vector<24x256xf32>
    %lt3A_1575 = arith.constant 128 : i32
    %lt3A_1576 = vector.broadcast %lt3A_1575 : i32 to vector<24x256xi32>
    %lt3A_1577 = arith.cmpi slt, %broadcast_in_dim3A_1543, %lt3A_1576 : vector<24x256xi32>
    %select_n3A_1578 = arith.select %lt3A_1577, %gather3A_1557, %gather3A_1574 : vector<24x256xi1>, vector<24x256xf32>
    %broadcast_in_dim3A_1579 = vector.shape_cast %argmax3A_1540 : vector<256xi32> to vector<1x256xi32>
    %get3A_1580 = arith.constant 30 : index
    %get3A_1581 = arith.constant 0 : index
    %get3A_1582 = arith.constant 0 : index
    %get3A_1583 = vector.load %arg2[%get3A_1580, %get3A_1581, %get3A_1582] : memref<32x256x24xf32, #tpu.memory_space<vmem>>, vector<1x256x24xf32>
    %get3A_1584 = vector.shape_cast %get3A_1583 : vector<1x256x24xf32> to vector<256x24xf32>
    %get3A_1585 = arith.constant 30 : index
    %get3A_1586 = arith.constant 0 : index
    %get3A_1587 = arith.constant 0 : index
    %get3A_1588 = vector.load %arg3[%get3A_1585, %get3A_1586, %get3A_1587] : memref<32x24x256xf32, #tpu.memory_space<vmem>>, vector<1x24x256xf32>
    %get3A_1589 = vector.shape_cast %get3A_1588 : vector<1x24x256xf32> to vector<24x256xf32>
    %slice3A_1590 = vector.extract_strided_slice %get3A_1 {offsets = [0, 720], sizes = [256, 24], strides = [1, 1]} : vector<256x768xf32> to vector<256x24xf32>
    %dot_general3A_1591 = arith.constant dense<0.000000e+00> : vector<256x256xf32>
    %dot_general3A_1592 = tpu.matmul %get3A_1584, %slice3A_1590, %dot_general3A_1591 {dimension_numbers = #tpu.dot_dimension_numbers<[1], [1], [0], [0], [0, 0, 1, 0], [], []>, transpose_lhs_hint = false} : vector<256x24xf32>, vector<256x24xf32>, vector<256x256xf32> -> vector<256x256xf32>
    %argmax3A_1593 = tpu.reduce_index %dot_general3A_1592 {axis = 0 : i32, kind = #tpu.reduction_kind<arg_max>} : vector<256x256xf32> -> vector<256xi32>
    %broadcast_in_dim3A_1594 = vector.shape_cast %argmax3A_1593 : vector<256xi32> to vector<1x256xi32>
    %broadcast_in_dim3A_1595 = vector.shape_cast %broadcast_in_dim3A_1594 : vector<1x256xi32> to vector<1x256xi32>
    %broadcast_in_dim3A_1596 = vector.broadcast %broadcast_in_dim3A_1595 : vector<1x256xi32> to vector<24x256xi32>
    %slice3A_1597 = vector.extract_strided_slice %get3A_1589 {offsets = [0, 0], sizes = [24, 128], strides = [1, 1]} : vector<24x256xf32> to vector<24x128xf32>
    %min3A_1598 = arith.constant 127 : i32
    %min3A_1599 = vector.broadcast %min3A_1598 : i32 to vector<24x256xi32>
    %min3A_1600 = arith.minsi %broadcast_in_dim3A_1596, %min3A_1599 : vector<24x256xi32>
    %lt3A_1601 = arith.constant 0 : i32
    %lt3A_1602 = vector.broadcast %lt3A_1601 : i32 to vector<24x256xi32>
    %lt3A_1603 = arith.cmpi slt, %min3A_1600, %lt3A_1602 : vector<24x256xi32>
    %add3A_1604 = arith.constant 128 : i32
    %add3A_1605 = vector.broadcast %add3A_1604 : i32 to vector<24x256xi32>
    %add3A_1606 = arith.addi %min3A_1600, %add3A_1605 : vector<24x256xi32>
    %select_n3A_1607 = arith.select %lt3A_1603, %add3A_1606, %min3A_1600 : vector<24x256xi1>, vector<24x256xi32>
    %reshape3A_1608 = vector.shape_cast %select_n3A_1607 : vector<24x256xi32> to vector<24x256x1xi32>
    %gather3A_1609 = vector.shape_cast %reshape3A_1608 : vector<24x256x1xi32> to vector<24x256xi32>
    %gather3A_1610 = tpu.dynamic_gather %slice3A_1597[%gather3A_1609] in [1] : vector<24x128xf32>, vector<24x256xi32> -> vector<24x256xf32>
    %slice3A_1611 = vector.extract_strided_slice %get3A_1589 {offsets = [0, 128], sizes = [24, 128], strides = [1, 1]} : vector<24x256xf32> to vector<24x128xf32>
    %sub3A_1612 = arith.constant 128 : i32
    %sub3A_1613 = vector.broadcast %sub3A_1612 : i32 to vector<24x256xi32>
    %sub3A_1614 = arith.subi %broadcast_in_dim3A_1596, %sub3A_1613 : vector<24x256xi32>
    %max3A_1615 = arith.constant 0 : i32
    %max3A_1616 = vector.broadcast %max3A_1615 : i32 to vector<24x256xi32>
    %max3A_1617 = arith.maxsi %sub3A_1614, %max3A_1616 : vector<24x256xi32>
    %lt3A_1618 = arith.constant 0 : i32
    %lt3A_1619 = vector.broadcast %lt3A_1618 : i32 to vector<24x256xi32>
    %lt3A_1620 = arith.cmpi slt, %max3A_1617, %lt3A_1619 : vector<24x256xi32>
    %add3A_1621 = arith.constant 128 : i32
    %add3A_1622 = vector.broadcast %add3A_1621 : i32 to vector<24x256xi32>
    %add3A_1623 = arith.addi %max3A_1617, %add3A_1622 : vector<24x256xi32>
    %select_n3A_1624 = arith.select %lt3A_1620, %add3A_1623, %max3A_1617 : vector<24x256xi1>, vector<24x256xi32>
    %reshape3A_1625 = vector.shape_cast %select_n3A_1624 : vector<24x256xi32> to vector<24x256x1xi32>
    %gather3A_1626 = vector.shape_cast %reshape3A_1625 : vector<24x256x1xi32> to vector<24x256xi32>
    %gather3A_1627 = tpu.dynamic_gather %slice3A_1611[%gather3A_1626] in [1] : vector<24x128xf32>, vector<24x256xi32> -> vector<24x256xf32>
    %lt3A_1628 = arith.constant 128 : i32
    %lt3A_1629 = vector.broadcast %lt3A_1628 : i32 to vector<24x256xi32>
    %lt3A_1630 = arith.cmpi slt, %broadcast_in_dim3A_1596, %lt3A_1629 : vector<24x256xi32>
    %select_n3A_1631 = arith.select %lt3A_1630, %gather3A_1610, %gather3A_1627 : vector<24x256xi1>, vector<24x256xf32>
    %broadcast_in_dim3A_1632 = vector.shape_cast %argmax3A_1593 : vector<256xi32> to vector<1x256xi32>
    %get3A_1633 = arith.constant 31 : index
    %get3A_1634 = arith.constant 0 : index
    %get3A_1635 = arith.constant 0 : index
    %get3A_1636 = vector.load %arg2[%get3A_1633, %get3A_1634, %get3A_1635] : memref<32x256x24xf32, #tpu.memory_space<vmem>>, vector<1x256x24xf32>
    %get3A_1637 = vector.shape_cast %get3A_1636 : vector<1x256x24xf32> to vector<256x24xf32>
    %get3A_1638 = arith.constant 31 : index
    %get3A_1639 = arith.constant 0 : index
    %get3A_1640 = arith.constant 0 : index
    %get3A_1641 = vector.load %arg3[%get3A_1638, %get3A_1639, %get3A_1640] : memref<32x24x256xf32, #tpu.memory_space<vmem>>, vector<1x24x256xf32>
    %get3A_1642 = vector.shape_cast %get3A_1641 : vector<1x24x256xf32> to vector<24x256xf32>
    %slice3A_1643 = vector.extract_strided_slice %get3A_1 {offsets = [0, 744], sizes = [256, 24], strides = [1, 1]} : vector<256x768xf32> to vector<256x24xf32>
    %dot_general3A_1644 = arith.constant dense<0.000000e+00> : vector<256x256xf32>
    %dot_general3A_1645 = tpu.matmul %get3A_1637, %slice3A_1643, %dot_general3A_1644 {dimension_numbers = #tpu.dot_dimension_numbers<[1], [1], [0], [0], [0, 0, 1, 0], [], []>, transpose_lhs_hint = false} : vector<256x24xf32>, vector<256x24xf32>, vector<256x256xf32> -> vector<256x256xf32>
    %argmax3A_1646 = tpu.reduce_index %dot_general3A_1645 {axis = 0 : i32, kind = #tpu.reduction_kind<arg_max>} : vector<256x256xf32> -> vector<256xi32>
    %broadcast_in_dim3A_1647 = vector.shape_cast %argmax3A_1646 : vector<256xi32> to vector<1x256xi32>
    %broadcast_in_dim3A_1648 = vector.shape_cast %broadcast_in_dim3A_1647 : vector<1x256xi32> to vector<1x256xi32>
    %broadcast_in_dim3A_1649 = vector.broadcast %broadcast_in_dim3A_1648 : vector<1x256xi32> to vector<24x256xi32>
    %slice3A_1650 = vector.extract_strided_slice %get3A_1642 {offsets = [0, 0], sizes = [24, 128], strides = [1, 1]} : vector<24x256xf32> to vector<24x128xf32>
    %min3A_1651 = arith.constant 127 : i32
    %min3A_1652 = vector.broadcast %min3A_1651 : i32 to vector<24x256xi32>
    %min3A_1653 = arith.minsi %broadcast_in_dim3A_1649, %min3A_1652 : vector<24x256xi32>
    %lt3A_1654 = arith.constant 0 : i32
    %lt3A_1655 = vector.broadcast %lt3A_1654 : i32 to vector<24x256xi32>
    %lt3A_1656 = arith.cmpi slt, %min3A_1653, %lt3A_1655 : vector<24x256xi32>
    %add3A_1657 = arith.constant 128 : i32
    %add3A_1658 = vector.broadcast %add3A_1657 : i32 to vector<24x256xi32>
    %add3A_1659 = arith.addi %min3A_1653, %add3A_1658 : vector<24x256xi32>
    %select_n3A_1660 = arith.select %lt3A_1656, %add3A_1659, %min3A_1653 : vector<24x256xi1>, vector<24x256xi32>
    %reshape3A_1661 = vector.shape_cast %select_n3A_1660 : vector<24x256xi32> to vector<24x256x1xi32>
    %gather3A_1662 = vector.shape_cast %reshape3A_1661 : vector<24x256x1xi32> to vector<24x256xi32>
    %gather3A_1663 = tpu.dynamic_gather %slice3A_1650[%gather3A_1662] in [1] : vector<24x128xf32>, vector<24x256xi32> -> vector<24x256xf32>
    %slice3A_1664 = vector.extract_strided_slice %get3A_1642 {offsets = [0, 128], sizes = [24, 128], strides = [1, 1]} : vector<24x256xf32> to vector<24x128xf32>
    %sub3A_1665 = arith.constant 128 : i32
    %sub3A_1666 = vector.broadcast %sub3A_1665 : i32 to vector<24x256xi32>
    %sub3A_1667 = arith.subi %broadcast_in_dim3A_1649, %sub3A_1666 : vector<24x256xi32>
    %max3A_1668 = arith.constant 0 : i32
    %max3A_1669 = vector.broadcast %max3A_1668 : i32 to vector<24x256xi32>
    %max3A_1670 = arith.maxsi %sub3A_1667, %max3A_1669 : vector<24x256xi32>
    %lt3A_1671 = arith.constant 0 : i32
    %lt3A_1672 = vector.broadcast %lt3A_1671 : i32 to vector<24x256xi32>
    %lt3A_1673 = arith.cmpi slt, %max3A_1670, %lt3A_1672 : vector<24x256xi32>
    %add3A_1674 = arith.constant 128 : i32
    %add3A_1675 = vector.broadcast %add3A_1674 : i32 to vector<24x256xi32>
    %add3A_1676 = arith.addi %max3A_1670, %add3A_1675 : vector<24x256xi32>
    %select_n3A_1677 = arith.select %lt3A_1673, %add3A_1676, %max3A_1670 : vector<24x256xi1>, vector<24x256xi32>
    %reshape3A_1678 = vector.shape_cast %select_n3A_1677 : vector<24x256xi32> to vector<24x256x1xi32>
    %gather3A_1679 = vector.shape_cast %reshape3A_1678 : vector<24x256x1xi32> to vector<24x256xi32>
    %gather3A_1680 = tpu.dynamic_gather %slice3A_1664[%gather3A_1679] in [1] : vector<24x128xf32>, vector<24x256xi32> -> vector<24x256xf32>
    %lt3A_1681 = arith.constant 128 : i32
    %lt3A_1682 = vector.broadcast %lt3A_1681 : i32 to vector<24x256xi32>
    %lt3A_1683 = arith.cmpi slt, %broadcast_in_dim3A_1649, %lt3A_1682 : vector<24x256xi32>
    %select_n3A_1684 = arith.select %lt3A_1683, %gather3A_1663, %gather3A_1680 : vector<24x256xi1>, vector<24x256xf32>
    %broadcast_in_dim3A_1685 = vector.shape_cast %argmax3A_1646 : vector<256xi32> to vector<1x256xi32>
    %concatenate3A = tpu.concatenate %select_n3A_41, %select_n3A_94, %select_n3A_147, %select_n3A_200, %select_n3A_253, %select_n3A_306, %select_n3A_359, %select_n3A_412, %select_n3A_465, %select_n3A_518, %select_n3A_571, %select_n3A_624, %select_n3A_677, %select_n3A_730, %select_n3A_783, %select_n3A_836, %select_n3A_889, %select_n3A_942, %select_n3A_995, %select_n3A_1048, %select_n3A_1101, %select_n3A_1154, %select_n3A_1207, %select_n3A_1260, %select_n3A_1313, %select_n3A_1366, %select_n3A_1419, %select_n3A_1472, %select_n3A_1525, %select_n3A_1578, %select_n3A_1631, %select_n3A_1684 in 0 : vector<24x256xf32>, vector<24x256xf32>, vector<24x256xf32>, vector<24x256xf32>, vector<24x256xf32>, vector<24x256xf32>, vector<24x256xf32>, vector<24x256xf32>, vector<24x256xf32>, vector<24x256xf32>, vector<24x256xf32>, vector<24x256xf32>, vector<24x256xf32>, vector<24x256xf32>, vector<24x256xf32>, vector<24x256xf32>, vector<24x256xf32>, vector<24x256xf32>, vector<24x256xf32>, vector<24x256xf32>, vector<24x256xf32>, vector<24x256xf32>, vector<24x256xf32>, vector<24x256xf32>, vector<24x256xf32>, vector<24x256xf32>, vector<24x256xf32>, vector<24x256xf32>, vector<24x256xf32>, vector<24x256xf32>, vector<24x256xf32>, vector<24x256xf32> -> vector<768x256xf32>
    %swap3A = arith.constant 0 : index
    %swap3A_1686 = arith.constant 0 : index
    %swap3A_1687 = vector.load %arg4[%swap3A, %swap3A_1686] : memref<768x256xf32, #tpu.memory_space<vmem>>, vector<768x256xf32>
    tpu.vector_store %arg4[%swap3A, %swap3A_1686], %concatenate3A {strides = array<i32>} : memref<768x256xf32, #tpu.memory_space<vmem>>, vector<768x256xf32>,
    %concatenate3A_1688 = tpu.concatenate %broadcast_in_dim3A_42, %broadcast_in_dim3A_95, %broadcast_in_dim3A_148, %broadcast_in_dim3A_201, %broadcast_in_dim3A_254, %broadcast_in_dim3A_307, %broadcast_in_dim3A_360, %broadcast_in_dim3A_413, %broadcast_in_dim3A_466, %broadcast_in_dim3A_519, %broadcast_in_dim3A_572, %broadcast_in_dim3A_625, %broadcast_in_dim3A_678, %broadcast_in_dim3A_731, %broadcast_in_dim3A_784, %broadcast_in_dim3A_837, %broadcast_in_dim3A_890, %broadcast_in_dim3A_943, %broadcast_in_dim3A_996, %broadcast_in_dim3A_1049, %broadcast_in_dim3A_1102, %broadcast_in_dim3A_1155, %broadcast_in_dim3A_1208, %broadcast_in_dim3A_1261, %broadcast_in_dim3A_1314, %broadcast_in_dim3A_1367, %broadcast_in_dim3A_1420, %broadcast_in_dim3A_1473, %broadcast_in_dim3A_1526, %broadcast_in_dim3A_1579, %broadcast_in_dim3A_1632, %broadcast_in_dim3A_1685 in 0 : vector<1x256xi32>, vector<1x256xi32>, vector<1x256xi32>, vector<1x256xi32>, vector<1x256xi32>, vector<1x256xi32>, vector<1x256xi32>, vector<1x256xi32>, vector<1x256xi32>, vector<1x256xi32>, vector<1x256xi32>, vector<1x256xi32>, vector<1x256xi32>, vector<1x256xi32>, vector<1x256xi32>, vector<1x256xi32>, vector<1x256xi32>, vector<1x256xi32>, vector<1x256xi32>, vector<1x256xi32>, vector<1x256xi32>, vector<1x256xi32>, vector<1x256xi32>, vector<1x256xi32>, vector<1x256xi32>, vector<1x256xi32>, vector<1x256xi32>, vector<1x256xi32>, vector<1x256xi32>, vector<1x256xi32>, vector<1x256xi32>, vector<1x256xi32> -> vector<32x256xi32>
    %swap3A_1689 = arith.constant 0 : index
    %swap3A_1690 = arith.constant 0 : index
    %swap3A_1691 = vector.load %arg5[%swap3A_1689, %swap3A_1690] : memref<32x256xi32, #tpu.memory_space<vmem>>, vector<32x256xi32>
    tpu.vector_store %arg5[%swap3A_1689, %swap3A_1690], %concatenate3A_1688 {strides = array<i32>} : memref<32x256xi32, #tpu.memory_space<vmem>>, vector<32x256xi32>,
    return
  }
  func.func @transform_0(%arg0: i32) -> (i32, i32) {
    %c0_i32 = arith.constant 0 : i32
    %c0_i32_0 = arith.constant 0 : i32
    return %arg0, %c0_i32 : i32, i32
  }
  func.func @transform_1(%arg0: i32) -> (i32, i32, i32) {
    %c0_i32 = arith.constant 0 : i32
    %c0_i32_0 = arith.constant 0 : i32
    %c0_i32_1 = arith.constant 0 : i32
    %c0_i32_2 = arith.constant 0 : i32
    return %c0_i32, %c0_i32_0, %c0_i32_1 : i32, i32, i32
  }
  func.func @transform_2(%arg0: i32) -> (i32, i32, i32) {
    %c0_i32 = arith.constant 0 : i32
    %c0_i32_0 = arith.constant 0 : i32
    %c0_i32_1 = arith.constant 0 : i32
    %c0_i32_2 = arith.constant 0 : i32
    return %c0_i32, %c0_i32_0, %c0_i32_1 : i32, i32, i32
  }
  func.func @transform_3(%arg0: i32) -> (i32, i32) {
    %c0_i32 = arith.constant 0 : i32
    %c0_i32_0 = arith.constant 0 : i32
    return %c0_i32, %arg0 : i32, i32
  }
  func.func @transform_4(%arg0: i32) -> (i32, i32) {
    %c0_i32 = arith.constant 0 : i32
    %c0_i32_0 = arith.constant 0 : i32
    return %c0_i32, %arg0 : i32, i32
  }
}

</mosaic_0001>

<sc_bundles>
// kernel: sparse-core-data-format-call.cloned.1.call-start
scs
called_computation_lowered:
.L_overlay_start_0:
0x0: {  	s2 =	sld [smem:$0x3FD9]  }
0x1: {  	s3 =	sld [smem:$0x3FFE];
	_ =	sdelay $0x1  }
0x2: {  	s1 =	srdreg.scid  }
0x3: {  	s0 =	sand.u32 $0x1, s1  }
0x4: {  	s15 =	sshll.u32 s0, $0xA;
	s2 =	sadd.s32 s3, s2  }
0x5: {  	s2 =	sadd.s32 s2, s15  }
0x6: {  	[smem:$0x3FC6] =	sst s2  }
0x7: {  	_ = 	snop  }
0x8: {  	s2 =	sld [smem:$0x3FD0];
	_ =	sdelay $0x2  }
0x9: {  	s16 =	simm.s32 $0xA;
	s4 =	simm.s32 $0x10  }
0xa: {  	[smem:s4], [sflag:s16] =	dma.local [hbm:s2], $0x1  }
0xb: {  	_ =	swait.eq [sflag:s16], $0x1  }
0xc: {  	[sflag:s16] =	ssyncset.done $0x0  }
0xd: {  	[sflag:s16] =	ssyncadd.s32 $0xFFFFFFFF  }
0xe: {  	s17 =	sld [smem:$0x10];
	(tm) =	ssettm $0x1  }
0xf: {  	s18 =	sld [smem:$0x3FFB];
	_ =	sdelay $0x3  }
0x10: {  	_ =	strace s18  }
0x11: {  	s3 =	sld [smem:$0x3FFC];
	_ =	sdelay $0x3  }
0x12: {  	_ =	strace s3  }
0x13: {  	s3 =	sld [smem:$0x3FFD];
	_ =	sdelay $0x3  }
0x14: {  	_ =	strace s3  }
0x15: {  	_ =	strace $0x8FFFFFFF  }
0x16: {  	s19 =	sld [smem:$0x3FDB];
	_ =	sdelay $0x1  }
0x17: {  	s20 =	simm.s32 $_scs_section_size  }
0x18: {  	s5 =	simm.s32 $_size__tile_overlayer_lowered;
	s6 =	simm.s32 $_tile_overlayer_lowered  }
0x19: {  	s23 =	simm.s32 $0x1BFF;
	s22 =	sshll.u32 s6, $0x1;
	s3 =	sadd.s32 s20, s19  }
0x1a: {  	s7 =	simm.s32 $0x0;
	s21 =	sshll.u32 s5, $0x1;
	s5 =	sadd.s32 s22, s3  }
0x1b: {  	[timem:s7], [sflag:s23] =	dma.local [hbm:s5], s21  }
0x1c: {  	_ =	swait.ge [sflag:s23], s21  }
0x1d: {  	s4 =	ssub.s32 $0x0, s21;
	[sflag:s23] =	ssyncset.done $0x0  }
0x1e: {  	[sflag:s23] =	ssyncadd.s32 s4;
	_ =	sdelay $0x1  }
0x1f: {  	s24 =	simm.s32 $0x1B8B  }
0x20: {  	_ =	swait.ge [sflag:s24], $0x1  }
0x21: {  	[sflag:s24] =	ssyncset.done $0x0  }
0x22: {  	s26 =	simm.s32 $0x1B8E;
	s25 =	sld [smem:$0x3FFE];
	[sflag:s24] =	ssyncadd.s32 $0xFFFFFFFF  }
0x23: {  	s27 =	simm.s32 $execute0_lowered;
	[smem:$0x3FD2] =	sst s26  }
0x24: {  	s5 =	sshll.u32 s27, $0x1;
	_ =	strace $0x80000046;
	[dreg:$0x1] =	wrdreg $0xFFFFFFFF  }
0x25: {  	s28 =	simm.s32 $_size_execute0_lowered;
	s3 =	sadd.s32 s3, s5;
	[dreg:$0x0] =	wrdreg $0x0  }
0x26: {  	s5 =	sshll.u32 s28, $0x1;
	[dreg:$0x2] =	wrdreg s3  }
0x27: {  	[dreg:$0x3] =	wrdreg s5  }
0x28: {  	[dreg:$0x4] =	wrdreg $0xC0  }
0x29: {  	_ =	task [dreg:s7], $0x5FFFF  }
0x2a: {  	[dreg:$0x1] =	wrdreg $0xFFFFFFFF  }
0x2b: {  	[dreg:$0x0] =	wrdreg $0x60  }
0x2c: {  	[dreg:$0x2] =	wrdreg s25  }
0x2d: {  	[dreg:$0x3] =	wrdreg s17  }
0x2e: {  	[dreg:$0x4] =	wrdreg $0x9  }
0x2f: {  	_ =	task.clear_ibuf [dreg:s7], $0x5FFFF;
	_ =	strace $0x90000046  }
0x30: {  	s29 =	simm.s32 $0x9;
	_ =	strace $0x80000048  }
0x31: {  	_ =	swait.ge [sflag:s29], $0x1  }
0x32: {  	[sflag:s29] =	ssyncadd.s32 $0xFFFFFFFF  }
0x33: {  	_ =	strace $0x90000048  }
0x34: {  	_ =	sfence  }
0x35: {  	s30 =	sld [smem:$0x0];
	_ =	sdelay $0x2  }
0x36: {  	s31 =	sshll.u32 s1, $0xD;
	s1 =	sshrl.u32 s1, $0x2  }
0x37: {  	s3 =	sand.u32 $0x4000, s31;
	s1 =	sadd.s32 s1, s30  }
0x38: {  	s0 =	sor.u32 s3, s0;
	s1 =	sshll.u32 s1, $0x11  }
0x39: {  	s0 =	sor.u32 s1, s0  }
0x3a: {  	s0 =	sadd.s32 $0x8F2B, s0  }
0x3b: {  	[sflag:s0] =	ssyncadd.remote.s32 $0x1  }
0x3c: {  	_ =	sfence.sel $0xFFFF  }
0x3d: {  	[dreg:$0x0] =	wrdreg $0xFFFFFFFF;
	(pc) =	sbr.abs _section_cstart, $3  }
0x3e: {  	[dreg:$0x1] =	wrdreg $0xFFFFFFFF  }
0x3f: {  	_ =	task.clear_ibuf [dreg:s7], $0x2FFFF;
	_ =	strace $0x9FFFFFFF  }
0x40: {  	(tm) =	ssettm $0x7FFFFFFF  }
0x41: {  	_ =	shalt  }
tec
execute0_lowered:
.L_overlay_start_1:
0x0: {  	(tag) =	ssettag $0x1  }
0x1: {  	s0 =	srdreg.scid  }
0x2: {  	s1 =	sshll.u32 s0, $0x4  }
0x3: {  	s0 =	stileid.u32;
	s1 =	sand.u32 $0x10, s1  }
0x4: {  	s1 =	sor.u32 s0, s1  }
0x5: {  	s6 =	rddreg [dreg:$0x0];
	s4 =	simm.s32 $0x1;
	s2 =	sshll.u32 s1, $0x7  }
0x6: {  	s7 =	simm.s32 $0x2;
	s13 =	simm.s32 $0x0;
	s1 =	ssub.s32 $0x4000, s2  }
0x7: {  	s8 =	simm.s32 $0x1800;
	s12 =	simm.s32 $0x0;
	s3 =	sand.u32 $0xF80, s1  }
0x8: {  	s10 =	simm.s32 $0x0;
	s5 =	sshrl.u32 s1, $0xC;
	p0 =	sne.s32 s3, $0x0  }
.Ltmp0:
0x9: {  	s1 =	rddreg [dreg:$0x2];
	s4 =	simm.s32 @!p0 $0x0;
	(pc) =	sbr.rel .LBB1_1-.Ltmp0, $4  }
0xa: {  	s11 =	simm.s32 $0x0;
	s3 =	rddreg [dreg:$0x1];
	s5 =	sadd.s32 s4, s5  }
0xb: {  	_ =	strace $0x80000047;
	s4 =	simm.s32 $0x1;
	s5 =	smul.u32 $0x6, s5  }
0xc: {  	s6 =	sadd.s32 $0x800, s6;
	s9 =	smov.u32 s2;
	[sflag:s4] =	ssyncpa.u1 $0x0  }
0xd: {  	p0 =	por $0x0, $0x0;
	[sflag:s7] =	ssyncpa.u1 $0x0;
	s7 =	sor.u32 $0x1, s5  }
.LBB1_4:
0xe: {  	s19 =	sshrl.u32 s13, $0x3  }
0xf: {  	s20 =	sshll.u32 s12, $0x3;
	s19 =	smul.u32 $0x1800, s19  }
0x10: {  	s29 =	sshll.u32 s13, $0x7;
	s20 =	sand.u32 $0xFFFFFC00, s20  }
0x11: {  	v5 =	vld [tilespmem:s17+$0xFFFFFFD0];
	[tilespmem:s16+$0x2040 ss:$0x81] =	vst.msk $0xffff, v4;
	s13 =	sand.u32 $0x380, s29;
	s19 =	sadd.s32 s20, s19  }
0x12: {  	v58 =	vld [tilespmem:s17+$0xFFFFFFE0];
	[tilespmem:s16+$0x2850 ss:$0x81] =	vst.msk $0xffff, v3;
	s30 =	sand.u32 $0x7F, s12;
	s13 =	sor.u32 s13, s19  }
0x13: {  	s18 =	sshra.s32 s18, $0x2;
	v59 =	vld [tilespmem:s17+$0xFFFFFFF0];
	[tilespmem:s16+$0x3060 ss:$0x81] =	vst.msk $0xffff, v2;
	s12 =	sor.u32 s30, s13  }
0x14: {  	v60 =	vld [tilespmem:s17+$0x0];
	[tilespmem:s16+$0x0 ss:$0x81] =	vst.msk $0xffff, v0;
	s15 =	sadd.s32 s18, s15;
	s31 =	smulhi.u32 $0xAAAAAAAB, s12  }
0x15: {  	v61 =	vld [tilespmem:s17+$0x10];
	[tilespmem:s15+$0x3870 ss:$0x81] =	vst.msk $0xffff, v1  }
0x16: {  	v62 =	vld [tilespmem:s17+$0x20];
	[tilespmem:s15+$0x810 ss:$0x81] =	vst.msk $0xffff, v5;
	s13 =	smulhi.u32 $0xAAAAAAAB, s13;
	s16 =	sshrl.u32 s31, $0x9  }
0x17: {  	v63 =	vld [tilespmem:s17+$0xFFFFFFC0];
	[tilespmem:s15+$0x1020 ss:$0x81] =	vst.msk $0xffff, v58;
	s16 =	smul.u32 $0x300, s16  }
0x18: {  	[tilespmem:s15+$0x1830 ss:$0x81] =	vst.msk $0xffff, v59;
	s13 =	sshrl.u32 s13, $0x9  }
0x19: {  	[tilespmem:s15+$0x2040 ss:$0x81] =	vst.msk $0xffff, v60;
	s13 =	sand.u32 $0x3FFF, s13;
	s12 =	ssub.s32 s12, s16  }
0x1a: {  	[tilespmem:s15+$0x2850 ss:$0x81] =	vst.msk $0xffff, v61;
	s13 =	smul.u32 $0x60, s13;
	s16 =	sshrl.u32 s12, $0x3;
	s12 =	sand.u32 $0x7, s12  }
0x1b: {  	[tilespmem:s15+$0x3060 ss:$0x81] =	vst.msk $0xffff, v62;
	s16 =	sadd.s32 s3, s16;
	s12 =	sshll.u32 s12, $0x12  }
0x1c: {  	[tilespmem:s15+$0x0 ss:$0x81] =	vst.msk $0xffff, v63;
	s13 =	sadd.s32 s13, s16;
	s12 =	sor.u32 $0x400, s12  }
0x1d: {  	[hbm4b:s13+s12] =	stream.strided.scatter [tilespmem:s14], [sflag:$0x2], $0x4000, s8, s12, $0x20;
	[tilespmem:$0x10100] =	vst v63  }
.LBB1_5:
0x1e: {  	s14 =	sadd.s32 $0x1000, s9  }
0x1f: {  	s12 =	sadd.s32 $0x80, s10;
	s16 =	smov.u32 s10;
	p2 =	sgt.s32 s14, $0x3FFF  }
0x20: {  	s16 =	smov.u32 @p2 s12  }
0x21: {  	s14 =	smov.u32 @p2 s2;
	p2 =	sgt.s32 s16, $0x2FF  }
0x22: {  	s16 =	simm.s32 @p2 $0x0;
	p2 =	sne.s32 s11, s7  }
.Ltmp1:
0x23: {  	p1 =	slt.u32 s11, $0x2;
	(pc) =	sbr.rel @!p2 .LBB1_6-.Ltmp1, $4  }
0x24: {  	s15 =	simm.s32 @!p1 $0x2  }
0x25: {  	s13 =	smov.u32 s9;
	p0 =	por !p0, !p0;
	_ =	swait.ge @!p1 [sflag:s15], $0x4000  }
0x26: {  	s12 =	smov.u32 s10;
	[sflag:s15] =	ssyncset.done @!p1 $0x0;
	s9 =	smov.u32 s14  }
0x27: {  	s11 =	sadd.s32 $0x1, s11;
	[sflag:s15] =	ssyncadd.s32 @!p1 $0xFFFFC000;
	s10 =	smov.u32 s16  }
.LBB1_1:
0x28: {  	p1 =	sge.u32 s11, s5  }
0x29: {  	s14 =	sshll.u32 @!p1 s10, $0xE  }
0x2a: {  	s15 =	sshll.u32 @!p1 s9, $0x3;
	s14 =	sand.u32 @!p1 $0xFFFE0000, s14  }
0x2b: {  	s14 =	sadd.s32 @!p1 s14, s15  }
0x2c: {  	s16 =	sshll.u32 @!p1 s10, $0x7;
	s14 =	sshrl.u32 @!p1 s14, $0xE  }
0x2d: {  	s17 =	sand.u32 @!p1 $0x78, s9;
	s16 =	sand.u32 @!p1 $0x380, s16;
	s18 =	smulhi.u32 @!p1 $0x555556, s14  }
0x2e: {  	s31 =	sadd.s32 $0xFFFFFFFF, s11;
	s16 =	sor.u32 @!p1 s16, s17  }
0x2f: {  	s17 =	sxor.u32 @!p1 $0xFFFFFFFF, s11;
	s15 =	sand.u32 @!p1 $0x3C00, s15;
	s18 =	smul.u32 @!p1 $0x300, s18  }
0x30: {  	s17 =	sshll.u32 @!p1 s17, $0xE;
	s15 =	sor.u32 @!p1 s15, s16;
	s16 =	sand.u32 @!p1 $0x7, s9  }
0x31: {  	s17 =	sand.u32 @!p1 $0x4000, s17;
	s15 =	sshrl.u32 @!p1 s15, $0x3;
	s14 =	ssub.s32 @!p1 s14, s18  }
0x32: {  	s16 =	sshll.u32 @!p1 s16, $0x12;
	s15 =	sadd.s32 @!p1 s6, s15;
	s14 =	sshll.u32 @!p1 s14, $0xB  }
0x33: {  	s14 =	sadd.s32 @!p1 s14, s15;
	s15 =	sor.u32 @!p1 $0x400, s16;
	s16 =	simm.s32 @!p1 $0x20000  }
0x34: {  	[tilespmem:s17], [sflag:$0x1] =	stream.strided.gather @!p1 [hbm4b:s14+s15], $0x4000, s16, s15, $0x38;
	[tilespmem:$0x10100] =	vst v63  }
0x35: {  	p1 =	sge.u32 s31, s5  }
.Ltmp2:
0x36: {  	_ = 	snop;
	(pc) =	sbr.rel @p1 .LBB1_5-.Ltmp2, $1  }
0x37: {  	_ =	sdelay $0x3  }
0x38: {  	s14 =	simm.s32 $0x1  }
0x39: {  	_ =	swait.ge [sflag:s4], $0x4000;
	s14 =	simm.s32 @!p0 $0x0  }
0x3a: {  	[sflag:s4] =	ssyncset.done $0x0;
	s15 =	sshll.u32 s14, $0xE  }
0x3b: {  	[sflag:s4] =	ssyncadd.s32 $0xFFFFC000;
	s17 =	sor.u32 $0x40, s15  }
0x3c: {  	s14 =	smul.u32 $0x10200, s14;
	v0 =	vld [tilespmem:s17+$0x30]  }
0x3d: {  	v1 =	vld [tilespmem:s17+$0xFFFFFFD0]  }
0x3e: {  	s14 =	sshrl.u32 s14, $0x2;
	v5 =	vld [tilespmem:s17+$0xFFFFFFE0]  }
0x3f: {  	v6 =	vld [tilespmem:s17+$0xFFFFFFF0];
	s15 =	sor.u32 $0x8000, s14  }
0x40: {  	s31 =	sand.u32 $0x1, s11;
	v4 =	vld [tilespmem:s17+$0x0];
	s16 =	sadd.s32 $0x0, s15  }
0x41: {  	v3 =	vld [tilespmem:s17+$0x10];
	s14 =	smul.u32 $0x10200, s31;
	[tilespmem:s16+$0x3870 ss:$0x81] =	vst.msk $0xffff, v0  }
0x42: {  	v2 =	vld [tilespmem:s17+$0x20];
	[tilespmem:s16+$0x810 ss:$0x81] =	vst.msk $0xffff, v1  }
0x43: {  	s14 =	sshrl.u32 s14, $0x2;
	v0 =	vld [tilespmem:s17+$0xFFFFFFC0];
	[tilespmem:s16+$0x1020 ss:$0x81] =	vst.msk $0xffff, v5;
	s17 =	sadd.s32 $0x80, s17  }
0x44: {  	s18 =	simm.s32 $0x4;
	s19 =	simm.s32 $0x8;
	s14 =	sor.u32 $0x8000, s14;
	[tilespmem:s16+$0x1830 ss:$0x81] =	vst.msk $0xffff, v6;
	v1 =	vld [tilespmem:s17+$0x30]  }
.LBB1_3:
0x45: {  	p1 =	sne.s32 s19, $0x1FC;
	v5 =	vld [tilespmem:s17+$0xFFFFFFD0];
	[tilespmem:s16+$0x2040 ss:$0x81] =	vst.msk $0xffff, v4  }
0x46: {  	v6 =	vld [tilespmem:s17+$0xFFFFFFE0];
	[tilespmem:s16+$0x2850 ss:$0x81] =	vst.msk $0xffff, v3  }
0x47: {  	s20 =	sshra.s32 s18, $0x2;
	s18 =	smov.u32 s19;
	v7 =	vld [tilespmem:s17+$0xFFFFFFF0];
	[tilespmem:s16+$0x3060 ss:$0x81] =	vst.msk $0xffff, v2  }
.Ltmp3:
0x48: {  	v4 =	vld [tilespmem:s17+$0x0];
	[tilespmem:s16+$0x0 ss:$0x81] =	vst.msk $0xffff, v0;
	s16 =	sadd.s32 s20, s15;
	(pc) =	sbr.rel @p1 .LBB1_3-.Ltmp3, $4  }
0x49: {  	v3 =	vld [tilespmem:s17+$0x10];
	[tilespmem:s16+$0x3870 ss:$0x81] =	vst.msk $0xffff, v1  }
0x4a: {  	[tilespmem:s16+$0x810 ss:$0x81] =	vst.msk $0xffff, v5;
	v2 =	vld [tilespmem:s17+$0x20]  }
0x4b: {  	v0 =	vld [tilespmem:s17+$0xFFFFFFC0];
	[tilespmem:s16+$0x1020 ss:$0x81] =	vst.msk $0xffff, v6;
	s17 =	sadd.s32 $0x80, s17  }
0x4c: {  	s19 =	sadd.s32 $0x4, s19;
	v1 =	vld [tilespmem:s17+$0x30];
	[tilespmem:s16+$0x1830 ss:$0x81] =	vst.msk $0xffff, v7  }
.Ltmp4:
0x4d: {  	_ = 	snop;
	(pc) =	sbr.rel .LBB1_4-.Ltmp4, $1  }
0x4e: {  	_ =	sdelay $0x3  }
.LBB1_6:
0x4f: {  	_ =	sfence.sel $0x180000  }
0x50: {  	s2 =	simm.s32 $0x1;
	[bflag:$0x0] =	sbarrier.arrive $0xFFFF  }
0x51: {  	s31 =	simm.s32 $0x2;
	[sflag:s2] =	ssyncpa.u1 $0x1  }
0x52: {  	[sflag:s31] =	ssyncpa.u1 $0x1  }
0x53: {  	p0 =	sne.s32 s0, $0x0;
	_ =	strace $0x90000047  }
0x54: {  	s0 =	sadd.s32 @!p0 $0x100000, s1;
	[bflag:$0x2] =	sbarrier.arrive $0xFFFF  }
0x55: {  	[sflag:s0] =	ssyncadd.tile.s32 @!p0 $0x1;
	_ =	shalt  }
.Lfunc_end1:
_tile_overlayer_lowered:
.L_overlay_start_2:
0x56: {  	(tag) =	ssettag $0x2  }
0x57: {  	s0 =	rddreg [dreg:$0x0];
	s2 =	stileid.u32  }
0x58: {  	s1 =	rddreg [dreg:$0x1];
	p0 =	sne.s32 s2, $0x0  }
0x59: {  	s3 =	rddreg [dreg:$0x2];
	[bflag:$0x3] =	sbarrier.arrive $0xFFFF;
	s2 =	simm.s32 @!p0 $0x1C01  }
0x5a: {  	[timem:s3], [sflag:s2] =	dma.local @!p0 [hbm:s0], s1  }
0x5b: {  	s0 =	simm.s32 @!p0 $0x1  }
0x5c: {  	_ =	swait.ge @!p0 [sflag:s0], s1  }
0x5d: {  	s1 =	ssub.s32 @!p0 $0x0, s1;
	[sflag:s0] =	ssyncset.done @!p0 $0x0  }
0x5e: {  	[sflag:s0] =	ssyncadd.s32 @!p0 s1  }
0x5f: {  	[bflag:$0x3] =	sbarrier.arrive $0xFFFF  }
0x60: {  	_ =	shalt  }

</sc_bundles>
